<compile_context>
chip_gen: v7x
topology: tpu7x:2x2x1
jax: 0.10.2.dev20260603
libtpu: 0.0.44.dev20260713+nightly
codegen_flags: <defaults>
</compile_context>

<pallas_src>
import functools

import numpy as np
import jax
import jax.numpy as jnp
from jax import lax
from jax.experimental import pallas as pl
from jax.experimental.pallas import tpu as pltpu
from jax.experimental.pallas import tpu_sc as plsc

_BATCH = 4096
_D = 128
_NSP = 26
_VOCAB = 100000
_WIN = 128
_F = _NSP + 1
_FP = 32
_R = 512


def _sc_gather(table, idx):
    n = idx.shape[0]
    nsamp = n // _NSP
    nwin = nsamp // 4
    mesh = plsc.VectorSubcoreMesh(core_axis_name="core",
                                  subcore_axis_name="subcore")
    idx2 = jnp.pad(idx.reshape(nwin, 4 * _NSP),
                   ((0, 0), (0, _WIN - 4 * _NSP)))

    @functools.partial(
        pl.kernel,
        out_type=jax.ShapeDtypeStruct((nsamp * _FP, _D), jnp.float32),
        mesh=mesh,
        scratch_types=[pltpu.SemaphoreType.DMA])
    def gather_kernel(x_hbm, i_hbm, o_hbm, sem):
        def body(i_vmem, o_vmem):
            copies = [
                pltpu.async_copy(
                    x_hbm.at[i_vmem.at[0, pl.ds(s * _NSP, _NSP)]],
                    o_vmem.at[pl.ds(s * _FP, _NSP)], sem)
                for s in range(4)
            ]
            for c in copies:
                c.wait()

        pltpu.emit_pipeline(
            body,
            grid=(nwin,),
            in_specs=[pl.BlockSpec((1, _WIN), index_map=lambda i: (i, 0))],
            out_specs=[pl.BlockSpec((4 * _FP, _D), index_map=lambda i: (i, 0))],
            core_axis_name=("core", "subcore"),
            dimension_semantics=(pltpu.PARALLEL,),
        )(i_hbm, o_hbm)

    return gather_kernel(table, idx2)


def _dense_body(x_ref, emb_ref, bw0, bb0, bw1, bb1, bw2, bb2,
                w0a, w0s3, tb0, tw1, tb1, tw2, tb2, tw3, tb3, tw4, tb4,
                out_ref):
    f32 = jnp.float32
    bf = jnp.bfloat16
    h = x_ref[...].astype(bf)
    h = jnp.maximum(jnp.dot(h, bw0[...], preferred_element_type=f32) + bb0[...], 0.0)
    h = jnp.maximum(jnp.dot(h.astype(bf), bw1[...], preferred_element_type=f32) + bb1[...], 0.0)
    bot = jnp.maximum(jnp.dot(h.astype(bf), bw2[...], preferred_element_type=f32) + bb2[...], 0.0)
    botb = bot.astype(bf)
    emb32 = emb_ref[...].astype(bf).reshape(_R, _FP, _D)
    fiota = lax.broadcasted_iota(jnp.int32, (1, _FP, 1), 1)
    stack = jnp.where(fiota == _NSP, botb.reshape(_R, 1, _D),
                      jnp.where(fiota < _NSP, emb32,
                                jnp.zeros((), bf)))
    xact = lax.dot_general(stack, stack, (((2,), (2,)), ((0,), (0,))),
                           preferred_element_type=f32)
    xflat = xact.astype(bf).reshape(_R, _FP * _FP)
    acc = (jnp.dot(botb, w0a[...], preferred_element_type=f32)
           + jnp.dot(xflat, w0s3[...], preferred_element_type=f32) + tb0[...])
    h = jnp.maximum(acc, 0.0)
    h = jnp.maximum(jnp.dot(h.astype(bf), tw1[...], preferred_element_type=f32) + tb1[...], 0.0)
    h = jnp.maximum(jnp.dot(h.astype(bf), tw2[...], preferred_element_type=f32) + tb2[...], 0.0)
    h = jnp.maximum(jnp.dot(h.astype(bf), tw3[...], preferred_element_type=f32) + tb3[...], 0.0)
    out_ref[...] = jnp.dot(h.astype(bf), tw4[...], preferred_element_type=f32) + tb4[...]


def _dense(x, emb2, *ws):
    nb = x.shape[0]
    specs = [pl.BlockSpec((_R, 13), lambda i: (i, 0)),
             pl.BlockSpec((_R * _FP, _D), lambda i: (i, 0))]
    for w in ws:
        specs.append(pl.BlockSpec(w.shape, lambda i, n=w.ndim: (0,) * n))
    return pl.pallas_call(
        _dense_body,
        grid=(nb // _R,),
        in_specs=specs,
        out_specs=pl.BlockSpec((_R, 1), lambda i: (i, 0)),
        out_shape=jax.ShapeDtypeStruct((nb, 1), jnp.float32),
    )(x, emb2, *ws)


_NPAIR = _F * (_F + 1) // 2
_PERM = np.array([i + 1 for i in range(_NSP)] + [0], np.int32)
_PAIR_ID = np.full((_F, _F), -1, np.int32)
_iu0, _iu1 = np.triu_indices(_F)
_PAIR_ID[_iu0, _iu1] = np.arange(_NPAIR)
_PAIR_ID[_iu1, _iu0] = _PAIR_ID[_iu0, _iu1]
_TRIU_MAP = np.full((_FP, _FP), _NPAIR, np.int32)
for _u in range(_F):
    for _v in range(_u, _F):
        _TRIU_MAP[_u, _v] = _PAIR_ID[_PERM[_u], _PERM[_v]]


def kernel(bot_mlp_input, cat_features, embedding_table,
           bot_W0, bot_b0, bot_W1, bot_b1, bot_W2, bot_b2,
           top_W0, top_b0, top_W1, top_b1, top_W2, top_b2,
           top_W3, top_b3, top_W4, top_b4):
    offs = jnp.arange(_NSP, dtype=jnp.int32) * _VOCAB
    idx = (cat_features.astype(jnp.int32) + offs[None, :]).reshape(-1)

    n_out = top_W0.shape[1]
    bf = jnp.bfloat16
    w0a = top_W0[:_D].astype(bf)
    w0pad = jnp.concatenate(
        [top_W0[_D:], jnp.zeros((1, n_out), jnp.float32)], axis=0).astype(bf)
    w0s3 = w0pad[jnp.asarray(_TRIU_MAP.reshape(-1))]

    row = lambda b: b.reshape(1, -1)
    ws = (bot_W0.astype(bf), row(bot_b0), bot_W1.astype(bf),
          row(bot_b1), bot_W2.astype(bf), row(bot_b2),
          w0a, w0s3, row(top_b0), top_W1.astype(bf), row(top_b1),
          top_W2.astype(bf), row(top_b2), top_W3.astype(bf),
          row(top_b3), top_W4.astype(bf), row(top_b4))

    nsl = 2
    sl = _BATCH // nsl
    embs = []
    for k in range(nsl):
        idx_k = lax.dynamic_slice_in_dim(idx, k * sl * _NSP, sl * _NSP)
        embs.append(_sc_gather(embedding_table, idx_k))
    outs = []
    for k in range(nsl):
        x_k = lax.dynamic_slice_in_dim(bot_mlp_input, k * sl, sl)
        outs.append(_dense(x_k, embs[k], *ws))
    return jnp.concatenate(outs, axis=0)

# --- scband reference (transcript-rebuilt; emitter-appended) ---
"""Pipeline reference for scband-dlrm-small-21869973471264 (READ-ONLY COPY).

The authoritative reference and input builder live on the scoring server;
editing this copy changes nothing except your own understanding.
"""

import jax, jax.numpy as jnp
import numpy as np

VOCAB_SIZES = np.array([100000] * 26, dtype=np.int64)
TOTAL_VOCAB = int(VOCAB_SIZES.sum())
EMBED_DIM = 128
BOT_DIMS = [512, 256, 128]
TOP_DIMS = [1024, 1024, 512, 256, 1]
BATCH = 4096
NUM_DENSE = 13
NUM_SPARSE = 26


def setup_inputs(seed: int = 0):
    key = jax.random.key(seed)
    ks = jax.random.split(key, 40)
    inp = {}
    inp['bot_mlp_input'] = jax.random.normal(ks[0], (BATCH, NUM_DENSE), dtype=jnp.float32)
    inp['cat_features'] = jax.random.randint(ks[1], (BATCH, NUM_SPARSE), 0, 100000, dtype=jnp.int32)
    # embedding table: uniform(0,1) scaled by 1/sqrt(vocab_size) per row
    scale = np.repeat(1.0 / np.sqrt(VOCAB_SIZES.astype(np.float64)), VOCAB_SIZES).astype(np.float32)[:, None]
    inp['embedding_table'] = jax.random.uniform(ks[2], (TOTAL_VOCAB, EMBED_DIM), dtype=jnp.float32) * jnp.asarray(scale)
    # bottom MLP params (stored as [in, out])
    kidx = 3
    d_in = NUM_DENSE
    for i, d_out in enumerate(BOT_DIMS):
        inp[f'bot_W{i}'] = jax.random.normal(ks[kidx], (d_in, d_out), dtype=jnp.float32) * np.sqrt(2.0 / (d_in + d_out)); kidx += 1
        inp[f'bot_b{i}'] = jax.random.normal(ks[kidx], (d_out,), dtype=jnp.float32) * np.sqrt(1.0 / d_out); kidx += 1
        d_in = d_out
    # top MLP params
    n_feat = NUM_SPARSE + 1
    d_in = n_feat * (n_feat + 1) // 2 + EMBED_DIM  # 378 + 128 = 506
    for i, d_out in enumerate(TOP_DIMS):
        inp[f'top_W{i}'] = jax.random.normal(ks[kidx], (d_in, d_out), dtype=jnp.float32) * np.sqrt(2.0 / (d_in + d_out)); kidx += 1
        inp[f'top_b{i}'] = jax.random.normal(ks[kidx], (d_out,), dtype=jnp.float32) * np.sqrt(1.0 / d_out); kidx += 1
        d_in = d_out
    return inp


def _dot_interact(stack):
    # stack: [B, F, D]
    xact = jnp.einsum('bfd,bgd->bfg', stack, stack)
    F = stack.shape[1]
    iu0, iu1 = np.triu_indices(F)  # includes diagonal, matches torch.triu_indices
    return xact[:, iu0, iu1]  # [B, F*(F+1)/2]


def reference(bot_mlp_input, cat_features, embedding_table,
              bot_W0, bot_b0, bot_W1, bot_b1, bot_W2, bot_b2,
              top_W0, top_b0, top_W1, top_b1, top_W2, top_b2,
              top_W3, top_b3, top_W4, top_b4):
    h = bot_mlp_input
    for W, b in [(bot_W0, bot_b0), (bot_W1, bot_b1), (bot_W2, bot_b2)]:
        h = jax.nn.relu(h @ W + b)
    bot_out = h  # [B, 128]
    B = bot_out.shape[0]
    feat = bot_out.reshape(B, -1, EMBED_DIM)
    offsets = jnp.concatenate([jnp.zeros(1, jnp.int32),
                               jnp.cumsum(jnp.asarray(VOCAB_SIZES, dtype=jnp.int32))[:-1]])
    idx = (cat_features.astype(jnp.int32) + offsets[None, :]).reshape(-1)
    emb = jnp.take(embedding_table, idx, axis=0).reshape(B, -1, EMBED_DIM)
    stack = jnp.concatenate([feat, emb], axis=1)  # [B, 27, 128]
    acts = _dot_interact(stack)  # [B, 378]
    h = jnp.concatenate([bot_out, acts], axis=-1)  # [B, 506]
    tops = [(top_W0, top_b0), (top_W1, top_b1), (top_W2, top_b2), (top_W3, top_b3), (top_W4, top_b4)]
    for i, (W, b) in enumerate(tops):
        h = h @ W + b
        if i < len(tops) - 1:
            h = jax.nn.relu(h)
    return h  # [B, 1]

if __name__ == "__main__":
    import jax
    _d = setup_inputs()
    print(jax.jit(kernel)(*tuple(_d.values())))

</pallas_src>

<mosaic_0001>
#map = affine_map<(d0, d1) -> (0, 0)>
module attributes {stable_mosaic.version = 14 : i64} {
  func.func @gather_kernel(%arg0: i32, %arg1: i32, %arg2: memref<2600000x128xf32, #tpu.memory_space<hbm>>, %arg3: memref<512x128xi32, #tpu.memory_space<hbm>>, %arg4: memref<65536x128xf32, #tpu.memory_space<hbm>>, %arg5: memref<!tpu.dma_semaphore, #tpu.memory_space<semaphore_mem>>) attributes {dimension_semantics = [#tpu.dimension_semantics<core_parallel>, #tpu.dimension_semantics<subcore_parallel>], iteration_bounds = array<i64: 2, 16>, scalar_prefetch = 0 : i64, scratch_operands = 1 : i64, tpu.core_type = #tpu.core_type<sc_vector_subcore>, window_params = [{transform_indices = #map}, {transform_indices = #map}, {transform_indices = #map}]} {
    %mul3A = arith.constant 1 : i32
    %mul3A_0 = arith.muli %arg1, %mul3A : i32
    %add3A = arith.constant 0 : i32
    %add3A_1 = arith.addi %add3A, %mul3A_0 : i32
    %mul3A_2 = arith.constant 16 : i32
    %mul3A_3 = arith.muli %arg0, %mul3A_2 : i32
    %add3A_4 = arith.addi %add3A_1, %mul3A_3 : i32
    %mul3A_5 = arith.constant 16 : i32
    %mul3A_6 = arith.muli %add3A_4, %mul3A_5 : i32
    "tpu.region"() ({
      %run_scoped3A = memref.alloca() : memref<2x1x128xi32, #tpu.memory_space<vmem>>
      %run_scoped3A_7 = tpu.sem_alloc : memref<2x!tpu.dma_semaphore, #tpu.memory_space<semaphore_mem>>
      %run_scoped3A_8 = memref.alloca() : memref<2x128x128xf32, #tpu.memory_space<vmem>>
      %run_scoped3A_9 = tpu.sem_alloc : memref<2x!tpu.dma_semaphore, #tpu.memory_space<semaphore_mem>>
      %add3A_10 = arith.constant 0 : i32
      %add3A_11 = arith.addi %add3A_10, %mul3A_6 : i32
      %select_n3A = arith.constant true
      %select_n3A_12 = arith.constant 0 : i32
      %select_n3A_13 = arith.constant -1 : i32
      %select_n3A_14 = arith.select %select_n3A, %select_n3A_13, %select_n3A_12 : i32
      %eq3A = arith.constant -1 : i32
      %eq3A_15 = arith.cmpi eq, %select_n3A_14, %eq3A : i32
      %select_n3A_16 = arith.constant 15 : i32
      %select_n3A_17 = arith.select %eq3A_15, %select_n3A_16, %select_n3A_14 : i32
      %add3A_18 = arith.addi %select_n3A_17, %mul3A_6 : i32
      %select_n3A_19 = arith.constant true
      %select_n3A_20 = arith.constant 0 : i32
      %select_n3A_21 = arith.constant 1 : i32
      %select_n3A_22 = arith.select %select_n3A_19, %select_n3A_21, %select_n3A_20 : i32
      %eq3A_23 = arith.constant 16 : i32
      %eq3A_24 = arith.cmpi eq, %select_n3A_22, %eq3A_23 : i32
      %select_n3A_25 = arith.constant 0 : i32
      %select_n3A_26 = arith.select %eq3A_24, %select_n3A_25, %select_n3A_22 : i32
      %add3A_27 = arith.addi %select_n3A_26, %mul3A_6 : i32
      %add3A_28 = arith.constant 1 : i32
      %add3A_29 = arith.addi %select_n3A_26, %add3A_28 : i32
      %select_n3A_30 = arith.constant true
      %select_n3A_31 = arith.select %select_n3A_30, %add3A_29, %select_n3A_26 : i32
      %eq3A_32 = arith.constant 16 : i32
      %eq3A_33 = arith.cmpi eq, %select_n3A_31, %eq3A_32 : i32
      %select_n3A_34 = arith.constant 0 : i32
      %select_n3A_35 = arith.select %eq3A_33, %select_n3A_34, %select_n3A_31 : i32
      %add3A_36 = arith.addi %select_n3A_35, %mul3A_6 : i32
      "tpu.trace_start"() <{level = 10 : i32, message = "ep_initialize_0"}> : () -> ()
      %rem3A = arith.constant 0 : i32
      %rem3A_37 = arith.constant 2 : i32
      %rem3A_38 = arith.remui %rem3A, %rem3A_37 : i32
      %mul3A_39 = arith.constant 1 : i32
      %mul3A_40 = arith.muli %mul3A_39, %add3A_11 : i32
      %dma_start3A = arith.constant 0 : i32
      %dma_start3A_41 = arith.constant 0 : i32
      %dma_start3A_42 = tpu.memref_slice %run_scoped3A[%rem3A_38, %dma_start3A, %dma_start3A_41] : memref<2x1x128xi32, #tpu.memory_space<vmem>> -> memref<1x1x128xi32, #tpu.memory_space<vmem>>
      %dma_start3A_43 = tpu.memref_squeeze %dma_start3A_42 : memref<1x1x128xi32, #tpu.memory_space<vmem>> -> memref<1x128xi32, #tpu.memory_space<vmem>>
      %dma_start3A_44 = arith.constant 0 : i32
      %dma_start3A_45 = tpu.memref_slice %arg3[%mul3A_40, %dma_start3A_44] : memref<512x128xi32, #tpu.memory_space<hbm>> -> memref<1x128xi32, #tpu.memory_space<hbm>>
      %dma_start3A_46 = tpu.memref_slice %run_scoped3A_7[%rem3A_38] : memref<2x!tpu.dma_semaphore, #tpu.memory_space<semaphore_mem>> -> memref<1x!tpu.dma_semaphore, #tpu.memory_space<semaphore_mem>>
      %dma_start3A_47 = tpu.memref_squeeze %dma_start3A_46 : memref<1x!tpu.dma_semaphore, #tpu.memory_space<semaphore_mem>> -> memref<!tpu.dma_semaphore, #tpu.memory_space<semaphore_mem>>
      %dma_start3A_48 = arith.constant 0 : i32
      %dma_start3A_49 = arith.constant 0 : i32
      %dma_start3A_50 = tpu.memref_slice %run_scoped3A[%rem3A_38, %dma_start3A_48, %dma_start3A_49] : memref<2x1x128xi32, #tpu.memory_space<vmem>> -> memref<1x1x128xi32, #tpu.memory_space<vmem>>
      %dma_start3A_51 = tpu.memref_squeeze %dma_start3A_50 : memref<1x1x128xi32, #tpu.memory_space<vmem>> -> memref<1x128xi32, #tpu.memory_space<vmem>>
      %dma_start3A_52 = arith.constant 0 : i32
      %dma_start3A_53 = tpu.memref_slice %arg3[%mul3A_40, %dma_start3A_52] : memref<512x128xi32, #tpu.memory_space<hbm>> -> memref<1x128xi32, #tpu.memory_space<hbm>>
      tpu.enqueue_dma source(%dma_start3A_53 : memref<1x128xi32, #tpu.memory_space<hbm>>) target(%dma_start3A_51 : memref<1x128xi32, #tpu.memory_space<vmem>>) target_semaphore(%dma_start3A_47 : memref<!tpu.dma_semaphore, #tpu.memory_space<semaphore_mem>>)
      %add3A_54 = arith.constant 0 : i32
      %add3A_55 = arith.constant 1 : i32
      %add3A_56 = arith.addi %add3A_54, %add3A_55 : i32
      %select_n3A_57 = arith.constant true
      %select_n3A_58 = arith.constant 0 : i32
      %select_n3A_59 = arith.select %select_n3A_57, %add3A_56, %select_n3A_58 : i32
      "tpu.trace_stop"() : () -> ()
      %scan3A = arith.constant 0 : i32
      %scan3A_60 = arith.constant 0 : i32
      %scan3A_61 = arith.constant 0 : i32
      %scan3A_62 = arith.constant 0 : i32
      %scan3A_63 = arith.constant 0 : i32
      %scan3A_64 = arith.constant 16 : i32
      %scan3A_65 = arith.addi %scan3A_63, %scan3A_64 : i32
      %scan3A_66 = arith.constant 1 : i32
      %scan3A_67:5 = scf.for %scan3A_121 = %scan3A_63 to %scan3A_65 step %scan3A_66 iter_args(%scan3A_122 = %select_n3A_59, %scan3A_123 = %scan3A, %scan3A_124 = %scan3A_60, %scan3A_125 = %scan3A_61, %scan3A_126 = %scan3A_62) -> (i32, i32, i32, i32, i32)  : i32 {
        %eq3A_127 = arith.constant 0 : i32
        %eq3A_128 = arith.cmpi eq, %scan3A_121, %eq3A_127 : i32
        %eq3A_129 = arith.constant 15 : i32
        %eq3A_130 = arith.cmpi eq, %scan3A_121, %eq3A_129 : i32
        %add3A_131 = arith.addi %scan3A_126, %mul3A_6 : i32
        %sub3A_132 = arith.constant 1 : i32
        %sub3A_133 = arith.subi %scan3A_126, %sub3A_132 : i32
        %select_n3A_134 = arith.constant true
        %select_n3A_135 = arith.select %select_n3A_134, %sub3A_133, %scan3A_126 : i32
        %eq3A_136 = arith.constant -1 : i32
        %eq3A_137 = arith.cmpi eq, %select_n3A_135, %eq3A_136 : i32
        %select_n3A_138 = arith.constant 15 : i32
        %select_n3A_139 = arith.select %eq3A_137, %select_n3A_138, %select_n3A_135 : i32
        %add3A_140 = arith.addi %select_n3A_139, %mul3A_6 : i32
        %add3A_141 = arith.constant 1 : i32
        %add3A_142 = arith.addi %scan3A_126, %add3A_141 : i32
        %select_n3A_143 = arith.constant true
        %select_n3A_144 = arith.select %select_n3A_143, %add3A_142, %scan3A_126 : i32
        %eq3A_145 = arith.constant 16 : i32
        %eq3A_146 = arith.cmpi eq, %select_n3A_144, %eq3A_145 : i32
        %select_n3A_147 = arith.constant 0 : i32
        %select_n3A_148 = arith.select %eq3A_146, %select_n3A_147, %select_n3A_144 : i32
        %add3A_149 = arith.addi %select_n3A_148, %mul3A_6 : i32
        %add3A_150 = arith.constant 1 : i32
        %add3A_151 = arith.addi %select_n3A_148, %add3A_150 : i32
        %select_n3A_152 = arith.constant true
        %select_n3A_153 = arith.select %select_n3A_152, %add3A_151, %select_n3A_148 : i32
        %eq3A_154 = arith.constant 16 : i32
        %eq3A_155 = arith.cmpi eq, %select_n3A_153, %eq3A_154 : i32
        %select_n3A_156 = arith.constant 0 : i32
        %select_n3A_157 = arith.select %eq3A_155, %select_n3A_156, %select_n3A_153 : i32
        %add3A_158 = arith.addi %select_n3A_157, %mul3A_6 : i32
        %ne3A = arith.cmpi ne, %add3A_131, %add3A_149 : i32
        %or3A = arith.constant false
        %or3A_159 = arith.ori %or3A, %ne3A : i1
        %or3A_160 = arith.constant false
        %or3A_161 = arith.ori %or3A_159, %or3A_160 : i1
        %ge3A = arith.constant 15 : i32
        %ge3A_162 = arith.cmpi sge, %scan3A_121, %ge3A : i32
        %not3A = arith.constant true
        %not3A_163 = arith.xori %ge3A_162, %not3A : i1
        %and3A = arith.andi %or3A_161, %not3A_163 : i1
        %convert_element_type3A = arith.extui %and3A : i1 to i32
        %cond3A = arith.constant 0 : i32
        %cond3A_164 = arith.cmpi ne, %convert_element_type3A, %cond3A : i32
        scf.if %cond3A_164 {
          "tpu.trace_start"() <{level = 10 : i32, message = "ep_copy_in"}> : () -> ()
          %rem3A_417 = arith.constant 2 : i32
          %rem3A_418 = arith.remui %scan3A_122, %rem3A_417 : i32
          %mul3A_419 = arith.constant 1 : i32
          %mul3A_420 = arith.muli %mul3A_419, %add3A_149 : i32
          %dma_start3A_421 = arith.constant 0 : i32
          %dma_start3A_422 = arith.constant 0 : i32
          %dma_start3A_423 = tpu.memref_slice %run_scoped3A[%rem3A_418, %dma_start3A_421, %dma_start3A_422] : memref<2x1x128xi32, #tpu.memory_space<vmem>> -> memref<1x1x128xi32, #tpu.memory_space<vmem>>
          %dma_start3A_424 = tpu.memref_squeeze %dma_start3A_423 : memref<1x1x128xi32, #tpu.memory_space<vmem>> -> memref<1x128xi32, #tpu.memory_space<vmem>>
          %dma_start3A_425 = arith.constant 0 : i32
          %dma_start3A_426 = tpu.memref_slice %arg3[%mul3A_420, %dma_start3A_425] : memref<512x128xi32, #tpu.memory_space<hbm>> -> memref<1x128xi32, #tpu.memory_space<hbm>>
          %dma_start3A_427 = tpu.memref_slice %run_scoped3A_7[%rem3A_418] : memref<2x!tpu.dma_semaphore, #tpu.memory_space<semaphore_mem>> -> memref<1x!tpu.dma_semaphore, #tpu.memory_space<semaphore_mem>>
          %dma_start3A_428 = tpu.memref_squeeze %dma_start3A_427 : memref<1x!tpu.dma_semaphore, #tpu.memory_space<semaphore_mem>> -> memref<!tpu.dma_semaphore, #tpu.memory_space<semaphore_mem>>
          %dma_start3A_429 = arith.constant 0 : i32
          %dma_start3A_430 = arith.constant 0 : i32
          %dma_start3A_431 = tpu.memref_slice %run_scoped3A[%rem3A_418, %dma_start3A_429, %dma_start3A_430] : memref<2x1x128xi32, #tpu.memory_space<vmem>> -> memref<1x1x128xi32, #tpu.memory_space<vmem>>
          %dma_start3A_432 = tpu.memref_squeeze %dma_start3A_431 : memref<1x1x128xi32, #tpu.memory_space<vmem>> -> memref<1x128xi32, #tpu.memory_space<vmem>>
          %dma_start3A_433 = arith.constant 0 : i32
          %dma_start3A_434 = tpu.memref_slice %arg3[%mul3A_420, %dma_start3A_433] : memref<512x128xi32, #tpu.memory_space<hbm>> -> memref<1x128xi32, #tpu.memory_space<hbm>>
          tpu.enqueue_dma source(%dma_start3A_434 : memref<1x128xi32, #tpu.memory_space<hbm>>) target(%dma_start3A_432 : memref<1x128xi32, #tpu.memory_space<vmem>>) target_semaphore(%dma_start3A_428 : memref<!tpu.dma_semaphore, #tpu.memory_space<semaphore_mem>>)
          "tpu.trace_stop"() : () -> ()
        } else {
        }
        %and3A_165 = arith.constant true
        %and3A_166 = arith.andi %and3A, %and3A_165 : i1
        %add3A_167 = arith.constant 1 : i32
        %add3A_168 = arith.addi %scan3A_122, %add3A_167 : i32
        %select_n3A_169 = arith.select %and3A_166, %add3A_168, %scan3A_122 : i32
        %ne3A_170 = arith.cmpi ne, %add3A_131, %add3A_149 : i32
        %or3A_171 = arith.constant false
        %or3A_172 = arith.ori %or3A_171, %ne3A_170 : i1
        %or3A_173 = arith.constant false
        %or3A_174 = arith.ori %or3A_172, %or3A_173 : i1
        %ge3A_175 = arith.constant 15 : i32
        %ge3A_176 = arith.cmpi sge, %scan3A_121, %ge3A_175 : i32
        %not3A_177 = arith.constant true
        %not3A_178 = arith.xori %ge3A_176, %not3A_177 : i1
        %and3A_179 = arith.andi %or3A_174, %not3A_178 : i1
        %ne3A_180 = arith.cmpi ne, %add3A_131, %add3A_140 : i32
        %or3A_181 = arith.constant false
        %or3A_182 = arith.ori %or3A_181, %ne3A_180 : i1
        %or3A_183 = arith.constant false
        %or3A_184 = arith.ori %or3A_182, %or3A_183 : i1
        %or3A_185 = arith.ori %or3A_184, %eq3A_128 : i1
        %convert_element_type3A_186 = arith.extui %or3A_185 : i1 to i32
        %cond3A_187 = arith.constant 0 : i32
        %cond3A_188 = arith.cmpi ne, %convert_element_type3A_186, %cond3A_187 : i32
        scf.if %cond3A_188 {
          "tpu.trace_start"() <{level = 10 : i32, message = "ep_wait_in"}> : () -> ()
          %mul3A_417 = arith.constant 1 : i32
          %mul3A_418 = arith.muli %mul3A_417, %add3A_131 : i32
          %rem3A_419 = arith.constant 2 : i32
          %rem3A_420 = arith.remui %scan3A_123, %rem3A_419 : i32
          %dma_wait3A_421 = arith.constant 0 : i32
          %dma_wait3A_422 = arith.constant 0 : i32
          %dma_wait3A_423 = tpu.memref_slice %run_scoped3A[%rem3A_420, %dma_wait3A_421, %dma_wait3A_422] : memref<2x1x128xi32, #tpu.memory_space<vmem>> -> memref<1x1x128xi32, #tpu.memory_space<vmem>>
          %dma_wait3A_424 = tpu.memref_squeeze %dma_wait3A_423 : memref<1x1x128xi32, #tpu.memory_space<vmem>> -> memref<1x128xi32, #tpu.memory_space<vmem>>
          %dma_wait3A_425 = arith.constant 0 : i32
          %dma_wait3A_426 = tpu.memref_slice %arg3[%mul3A_418, %dma_wait3A_425] : memref<512x128xi32, #tpu.memory_space<hbm>> -> memref<1x128xi32, #tpu.memory_space<hbm>>
          %dma_wait3A_427 = tpu.memref_slice %run_scoped3A_7[%rem3A_420] : memref<2x!tpu.dma_semaphore, #tpu.memory_space<semaphore_mem>> -> memref<1x!tpu.dma_semaphore, #tpu.memory_space<semaphore_mem>>
          %dma_wait3A_428 = tpu.memref_squeeze %dma_wait3A_427 : memref<1x!tpu.dma_semaphore, #tpu.memory_space<semaphore_mem>> -> memref<!tpu.dma_semaphore, #tpu.memory_space<semaphore_mem>>
          %dma_wait3A_429 = arith.constant 0 : i32
          %dma_wait3A_430 = arith.constant 0 : i32
          %dma_wait3A_431 = tpu.memref_slice %run_scoped3A[%rem3A_420, %dma_wait3A_429, %dma_wait3A_430] : memref<2x1x128xi32, #tpu.memory_space<vmem>> -> memref<1x1x128xi32, #tpu.memory_space<vmem>>
          %dma_wait3A_432 = tpu.memref_squeeze %dma_wait3A_431 : memref<1x1x128xi32, #tpu.memory_space<vmem>> -> memref<1x128xi32, #tpu.memory_space<vmem>>
          %dma_wait3A_433 = arith.constant 0 : i32
          %dma_wait3A_434 = tpu.memref_slice %arg3[%mul3A_418, %dma_wait3A_433] : memref<512x128xi32, #tpu.memory_space<hbm>> -> memref<1x128xi32, #tpu.memory_space<hbm>>
          tpu.wait_dma2 semaphore(%dma_wait3A_428 : memref<!tpu.dma_semaphore, #tpu.memory_space<semaphore_mem>>) src(%dma_wait3A_434 : memref<1x128xi32, #tpu.memory_space<hbm>>) dst(%dma_wait3A_432 : memref<1x128xi32, #tpu.memory_space<vmem>>)
          "tpu.trace_stop"() : () -> ()
        } else {
        }
        %ne3A_189 = arith.cmpi ne, %add3A_131, %add3A_140 : i32
        %or3A_190 = arith.constant false
        %or3A_191 = arith.ori %or3A_190, %ne3A_189 : i1
        %or3A_192 = arith.constant false
        %or3A_193 = arith.ori %or3A_191, %or3A_192 : i1
        %or3A_194 = arith.ori %or3A_193, %eq3A_128 : i1
        %convert_element_type3A_195 = arith.extui %or3A_194 : i1 to i32
        %cond3A_196 = arith.constant 0 : i32
        %cond3A_197 = arith.cmpi ne, %convert_element_type3A_195, %cond3A_196 : i32
        scf.if %cond3A_197 {
        } else {
        }
        %rem3A_198 = arith.constant 2 : i32
        %rem3A_199 = arith.remui %scan3A_123, %rem3A_198 : i32
        %rem3A_200 = arith.constant 2 : i32
        %rem3A_201 = arith.remui %scan3A_124, %rem3A_200 : i32
        %dma_start3A_202 = arith.constant 0 : i32
        "tpu.trace_start"() <{level = 10 : i32, message = "ep_run_kernel"}> : () -> ()
        %dma_start3A_203 = arith.constant 0 : i32
        %dma_start3A_204 = arith.constant 0 : i32
        %dma_start3A_205 = tpu.memref_slice %run_scoped3A_8[%rem3A_201, %dma_start3A_203, %dma_start3A_204] : memref<2x128x128xf32, #tpu.memory_space<vmem>> -> memref<1x128x128xf32, #tpu.memory_space<vmem>>
        %dma_start3A_206 = tpu.memref_squeeze %dma_start3A_205 : memref<1x128x128xf32, #tpu.memory_space<vmem>> -> memref<128x128xf32, #tpu.memory_space<vmem>>
        %dma_start3A_207 = arith.constant 0 : i32
        %dma_start3A_208 = arith.constant 0 : i32
        %dma_start3A_209 = tpu.memref_slice %dma_start3A_206[%dma_start3A_207, %dma_start3A_208] : memref<128x128xf32, #tpu.memory_space<vmem>> -> memref<26x128xf32, #tpu.memory_space<vmem>>
        %dma_start3A_210 = arith.constant 0 : i32
        %dma_start3A_211 = arith.constant 0 : i32
        %dma_start3A_212 = tpu.memref_slice %run_scoped3A[%rem3A_199, %dma_start3A_210, %dma_start3A_211] : memref<2x1x128xi32, #tpu.memory_space<vmem>> -> memref<1x1x128xi32, #tpu.memory_space<vmem>>
        %dma_start3A_213 = tpu.memref_squeeze %dma_start3A_212 : memref<1x1x128xi32, #tpu.memory_space<vmem>> -> memref<1x128xi32, #tpu.memory_space<vmem>>
        %dma_start3A_214 = arith.constant 0 : i32
        %dma_start3A_215 = tpu.memref_slice %dma_start3A_213[%dma_start3A_202, %dma_start3A_214] : memref<1x128xi32, #tpu.memory_space<vmem>> -> memref<1x26xi32, #tpu.memory_space<vmem>>
        %dma_start3A_216 = tpu.memref_squeeze %dma_start3A_215 : memref<1x26xi32, #tpu.memory_space<vmem>> -> memref<26xi32, #tpu.memory_space<vmem>>
        %dma_start3A_217 = arith.constant 0 : i32
        %dma_start3A_218 = arith.constant 0 : i32
        %dma_start3A_219 = tpu.memref_slice %arg2[%dma_start3A_217, %dma_start3A_218] : memref<2600000x128xf32, #tpu.memory_space<hbm>> -> memref<2600000x128xf32, #tpu.memory_space<hbm>>
        tpu.enqueue_indirect_dma source(%dma_start3A_219 : memref<2600000x128xf32, #tpu.memory_space<hbm>>) target(%dma_start3A_209 : memref<26x128xf32, #tpu.memory_space<vmem>>) offsets(%dma_start3A_216 : memref<26xi32, #tpu.memory_space<vmem>>) semaphore(%arg5 : memref<!tpu.dma_semaphore, #tpu.memory_space<semaphore_mem>>)
        %dma_start3A_220 = arith.constant 0 : i32
        %dma_start3A_221 = arith.constant 0 : i32
        %dma_start3A_222 = arith.constant 0 : i32
        %dma_start3A_223 = tpu.memref_slice %run_scoped3A_8[%rem3A_201, %dma_start3A_221, %dma_start3A_222] : memref<2x128x128xf32, #tpu.memory_space<vmem>> -> memref<1x128x128xf32, #tpu.memory_space<vmem>>
        %dma_start3A_224 = tpu.memref_squeeze %dma_start3A_223 : memref<1x128x128xf32, #tpu.memory_space<vmem>> -> memref<128x128xf32, #tpu.memory_space<vmem>>
        %dma_start3A_225 = arith.constant 32 : i32
        %dma_start3A_226 = arith.constant 0 : i32
        %dma_start3A_227 = tpu.memref_slice %dma_start3A_224[%dma_start3A_225, %dma_start3A_226] : memref<128x128xf32, #tpu.memory_space<vmem>> -> memref<26x128xf32, #tpu.memory_space<vmem>>
        %dma_start3A_228 = arith.constant 0 : i32
        %dma_start3A_229 = arith.constant 0 : i32
        %dma_start3A_230 = tpu.memref_slice %run_scoped3A[%rem3A_199, %dma_start3A_228, %dma_start3A_229] : memref<2x1x128xi32, #tpu.memory_space<vmem>> -> memref<1x1x128xi32, #tpu.memory_space<vmem>>
        %dma_start3A_231 = tpu.memref_squeeze %dma_start3A_230 : memref<1x1x128xi32, #tpu.memory_space<vmem>> -> memref<1x128xi32, #tpu.memory_space<vmem>>
        %dma_start3A_232 = arith.constant 26 : i32
        %dma_start3A_233 = tpu.memref_slice %dma_start3A_231[%dma_start3A_220, %dma_start3A_232] : memref<1x128xi32, #tpu.memory_space<vmem>> -> memref<1x26xi32, #tpu.memory_space<vmem>>
        %dma_start3A_234 = tpu.memref_squeeze %dma_start3A_233 : memref<1x26xi32, #tpu.memory_space<vmem>> -> memref<26xi32, #tpu.memory_space<vmem>>
        %dma_start3A_235 = arith.constant 0 : i32
        %dma_start3A_236 = arith.constant 0 : i32
        %dma_start3A_237 = tpu.memref_slice %arg2[%dma_start3A_235, %dma_start3A_236] : memref<2600000x128xf32, #tpu.memory_space<hbm>> -> memref<2600000x128xf32, #tpu.memory_space<hbm>>
        tpu.enqueue_indirect_dma source(%dma_start3A_237 : memref<2600000x128xf32, #tpu.memory_space<hbm>>) target(%dma_start3A_227 : memref<26x128xf32, #tpu.memory_space<vmem>>) offsets(%dma_start3A_234 : memref<26xi32, #tpu.memory_space<vmem>>) semaphore(%arg5 : memref<!tpu.dma_semaphore, #tpu.memory_space<semaphore_mem>>)
        %dma_start3A_238 = arith.constant 0 : i32
        %dma_start3A_239 = arith.constant 0 : i32
        %dma_start3A_240 = arith.constant 0 : i32
        %dma_start3A_241 = tpu.memref_slice %run_scoped3A_8[%rem3A_201, %dma_start3A_239, %dma_start3A_240] : memref<2x128x128xf32, #tpu.memory_space<vmem>> -> memref<1x128x128xf32, #tpu.memory_space<vmem>>
        %dma_start3A_242 = tpu.memref_squeeze %dma_start3A_241 : memref<1x128x128xf32, #tpu.memory_space<vmem>> -> memref<128x128xf32, #tpu.memory_space<vmem>>
        %dma_start3A_243 = arith.constant 64 : i32
        %dma_start3A_244 = arith.constant 0 : i32
        %dma_start3A_245 = tpu.memref_slice %dma_start3A_242[%dma_start3A_243, %dma_start3A_244] : memref<128x128xf32, #tpu.memory_space<vmem>> -> memref<26x128xf32, #tpu.memory_space<vmem>>
        %dma_start3A_246 = arith.constant 0 : i32
        %dma_start3A_247 = arith.constant 0 : i32
        %dma_start3A_248 = tpu.memref_slice %run_scoped3A[%rem3A_199, %dma_start3A_246, %dma_start3A_247] : memref<2x1x128xi32, #tpu.memory_space<vmem>> -> memref<1x1x128xi32, #tpu.memory_space<vmem>>
        %dma_start3A_249 = tpu.memref_squeeze %dma_start3A_248 : memref<1x1x128xi32, #tpu.memory_space<vmem>> -> memref<1x128xi32, #tpu.memory_space<vmem>>
        %dma_start3A_250 = arith.constant 52 : i32
        %dma_start3A_251 = tpu.memref_slice %dma_start3A_249[%dma_start3A_238, %dma_start3A_250] : memref<1x128xi32, #tpu.memory_space<vmem>> -> memref<1x26xi32, #tpu.memory_space<vmem>>
        %dma_start3A_252 = tpu.memref_squeeze %dma_start3A_251 : memref<1x26xi32, #tpu.memory_space<vmem>> -> memref<26xi32, #tpu.memory_space<vmem>>
        %dma_start3A_253 = arith.constant 0 : i32
        %dma_start3A_254 = arith.constant 0 : i32
        %dma_start3A_255 = tpu.memref_slice %arg2[%dma_start3A_253, %dma_start3A_254] : memref<2600000x128xf32, #tpu.memory_space<hbm>> -> memref<2600000x128xf32, #tpu.memory_space<hbm>>
        tpu.enqueue_indirect_dma source(%dma_start3A_255 : memref<2600000x128xf32, #tpu.memory_space<hbm>>) target(%dma_start3A_245 : memref<26x128xf32, #tpu.memory_space<vmem>>) offsets(%dma_start3A_252 : memref<26xi32, #tpu.memory_space<vmem>>) semaphore(%arg5 : memref<!tpu.dma_semaphore, #tpu.memory_space<semaphore_mem>>)
        %dma_start3A_256 = arith.constant 0 : i32
        %dma_start3A_257 = arith.constant 0 : i32
        %dma_start3A_258 = arith.constant 0 : i32
        %dma_start3A_259 = tpu.memref_slice %run_scoped3A_8[%rem3A_201, %dma_start3A_257, %dma_start3A_258] : memref<2x128x128xf32, #tpu.memory_space<vmem>> -> memref<1x128x128xf32, #tpu.memory_space<vmem>>
        %dma_start3A_260 = tpu.memref_squeeze %dma_start3A_259 : memref<1x128x128xf32, #tpu.memory_space<vmem>> -> memref<128x128xf32, #tpu.memory_space<vmem>>
        %dma_start3A_261 = arith.constant 96 : i32
        %dma_start3A_262 = arith.constant 0 : i32
        %dma_start3A_263 = tpu.memref_slice %dma_start3A_260[%dma_start3A_261, %dma_start3A_262] : memref<128x128xf32, #tpu.memory_space<vmem>> -> memref<26x128xf32, #tpu.memory_space<vmem>>
        %dma_start3A_264 = arith.constant 0 : i32
        %dma_start3A_265 = arith.constant 0 : i32
        %dma_start3A_266 = tpu.memref_slice %run_scoped3A[%rem3A_199, %dma_start3A_264, %dma_start3A_265] : memref<2x1x128xi32, #tpu.memory_space<vmem>> -> memref<1x1x128xi32, #tpu.memory_space<vmem>>
        %dma_start3A_267 = tpu.memref_squeeze %dma_start3A_266 : memref<1x1x128xi32, #tpu.memory_space<vmem>> -> memref<1x128xi32, #tpu.memory_space<vmem>>
        %dma_start3A_268 = arith.constant 78 : i32
        %dma_start3A_269 = tpu.memref_slice %dma_start3A_267[%dma_start3A_256, %dma_start3A_268] : memref<1x128xi32, #tpu.memory_space<vmem>> -> memref<1x26xi32, #tpu.memory_space<vmem>>
        %dma_start3A_270 = tpu.memref_squeeze %dma_start3A_269 : memref<1x26xi32, #tpu.memory_space<vmem>> -> memref<26xi32, #tpu.memory_space<vmem>>
        %dma_start3A_271 = arith.constant 0 : i32
        %dma_start3A_272 = arith.constant 0 : i32
        %dma_start3A_273 = tpu.memref_slice %arg2[%dma_start3A_271, %dma_start3A_272] : memref<2600000x128xf32, #tpu.memory_space<hbm>> -> memref<2600000x128xf32, #tpu.memory_space<hbm>>
        tpu.enqueue_indirect_dma source(%dma_start3A_273 : memref<2600000x128xf32, #tpu.memory_space<hbm>>) target(%dma_start3A_263 : memref<26x128xf32, #tpu.memory_space<vmem>>) offsets(%dma_start3A_270 : memref<26xi32, #tpu.memory_space<vmem>>) semaphore(%arg5 : memref<!tpu.dma_semaphore, #tpu.memory_space<semaphore_mem>>)
        %dma_wait3A_274 = arith.constant 0 : i32
        %dma_wait3A_275 = arith.constant 0 : i32
        %dma_wait3A_276 = arith.constant 0 : i32
        %dma_wait3A_277 = tpu.memref_slice %run_scoped3A_8[%rem3A_201, %dma_wait3A_275, %dma_wait3A_276] : memref<2x128x128xf32, #tpu.memory_space<vmem>> -> memref<1x128x128xf32, #tpu.memory_space<vmem>>
        %dma_wait3A_278 = tpu.memref_squeeze %dma_wait3A_277 : memref<1x128x128xf32, #tpu.memory_space<vmem>> -> memref<128x128xf32, #tpu.memory_space<vmem>>
        %dma_wait3A_279 = arith.constant 0 : i32
        %dma_wait3A_280 = arith.constant 0 : i32
        %dma_wait3A_281 = tpu.memref_slice %dma_wait3A_278[%dma_wait3A_279, %dma_wait3A_280] : memref<128x128xf32, #tpu.memory_space<vmem>> -> memref<26x128xf32, #tpu.memory_space<vmem>>
        %dma_wait3A_282 = arith.constant 0 : i32
        %dma_wait3A_283 = arith.constant 0 : i32
        %dma_wait3A_284 = tpu.memref_slice %run_scoped3A[%rem3A_199, %dma_wait3A_282, %dma_wait3A_283] : memref<2x1x128xi32, #tpu.memory_space<vmem>> -> memref<1x1x128xi32, #tpu.memory_space<vmem>>
        %dma_wait3A_285 = tpu.memref_squeeze %dma_wait3A_284 : memref<1x1x128xi32, #tpu.memory_space<vmem>> -> memref<1x128xi32, #tpu.memory_space<vmem>>
        %dma_wait3A_286 = arith.constant 0 : i32
        %dma_wait3A_287 = tpu.memref_slice %dma_wait3A_285[%dma_wait3A_274, %dma_wait3A_286] : memref<1x128xi32, #tpu.memory_space<vmem>> -> memref<1x26xi32, #tpu.memory_space<vmem>>
        %dma_wait3A_288 = tpu.memref_squeeze %dma_wait3A_287 : memref<1x26xi32, #tpu.memory_space<vmem>> -> memref<26xi32, #tpu.memory_space<vmem>>
        %dma_wait3A_289 = arith.constant 0 : i32
        %dma_wait3A_290 = arith.constant 0 : i32
        %dma_wait3A_291 = tpu.memref_slice %arg2[%dma_wait3A_289, %dma_wait3A_290] : memref<2600000x128xf32, #tpu.memory_space<hbm>> -> memref<2600000x128xf32, #tpu.memory_space<hbm>>
        tpu.wait_indirect_dma semaphore(%arg5 : memref<!tpu.dma_semaphore, #tpu.memory_space<semaphore_mem>>) src(%dma_wait3A_291 : memref<2600000x128xf32, #tpu.memory_space<hbm>>) dst(%dma_wait3A_281 : memref<26x128xf32, #tpu.memory_space<vmem>>)
        %dma_wait3A_292 = arith.constant 0 : i32
        %dma_wait3A_293 = arith.constant 0 : i32
        %dma_wait3A_294 = arith.constant 0 : i32
        %dma_wait3A_295 = tpu.memref_slice %run_scoped3A_8[%rem3A_201, %dma_wait3A_293, %dma_wait3A_294] : memref<2x128x128xf32, #tpu.memory_space<vmem>> -> memref<1x128x128xf32, #tpu.memory_space<vmem>>
        %dma_wait3A_296 = tpu.memref_squeeze %dma_wait3A_295 : memref<1x128x128xf32, #tpu.memory_space<vmem>> -> memref<128x128xf32, #tpu.memory_space<vmem>>
        %dma_wait3A_297 = arith.constant 32 : i32
        %dma_wait3A_298 = arith.constant 0 : i32
        %dma_wait3A_299 = tpu.memref_slice %dma_wait3A_296[%dma_wait3A_297, %dma_wait3A_298] : memref<128x128xf32, #tpu.memory_space<vmem>> -> memref<26x128xf32, #tpu.memory_space<vmem>>
        %dma_wait3A_300 = arith.constant 0 : i32
        %dma_wait3A_301 = arith.constant 0 : i32
        %dma_wait3A_302 = tpu.memref_slice %run_scoped3A[%rem3A_199, %dma_wait3A_300, %dma_wait3A_301] : memref<2x1x128xi32, #tpu.memory_space<vmem>> -> memref<1x1x128xi32, #tpu.memory_space<vmem>>
        %dma_wait3A_303 = tpu.memref_squeeze %dma_wait3A_302 : memref<1x1x128xi32, #tpu.memory_space<vmem>> -> memref<1x128xi32, #tpu.memory_space<vmem>>
        %dma_wait3A_304 = arith.constant 26 : i32
        %dma_wait3A_305 = tpu.memref_slice %dma_wait3A_303[%dma_wait3A_292, %dma_wait3A_304] : memref<1x128xi32, #tpu.memory_space<vmem>> -> memref<1x26xi32, #tpu.memory_space<vmem>>
        %dma_wait3A_306 = tpu.memref_squeeze %dma_wait3A_305 : memref<1x26xi32, #tpu.memory_space<vmem>> -> memref<26xi32, #tpu.memory_space<vmem>>
        %dma_wait3A_307 = arith.constant 0 : i32
        %dma_wait3A_308 = arith.constant 0 : i32
        %dma_wait3A_309 = tpu.memref_slice %arg2[%dma_wait3A_307, %dma_wait3A_308] : memref<2600000x128xf32, #tpu.memory_space<hbm>> -> memref<2600000x128xf32, #tpu.memory_space<hbm>>
        tpu.wait_indirect_dma semaphore(%arg5 : memref<!tpu.dma_semaphore, #tpu.memory_space<semaphore_mem>>) src(%dma_wait3A_309 : memref<2600000x128xf32, #tpu.memory_space<hbm>>) dst(%dma_wait3A_299 : memref<26x128xf32, #tpu.memory_space<vmem>>)
        %dma_wait3A_310 = arith.constant 0 : i32
        %dma_wait3A_311 = arith.constant 0 : i32
        %dma_wait3A_312 = arith.constant 0 : i32
        %dma_wait3A_313 = tpu.memref_slice %run_scoped3A_8[%rem3A_201, %dma_wait3A_311, %dma_wait3A_312] : memref<2x128x128xf32, #tpu.memory_space<vmem>> -> memref<1x128x128xf32, #tpu.memory_space<vmem>>
        %dma_wait3A_314 = tpu.memref_squeeze %dma_wait3A_313 : memref<1x128x128xf32, #tpu.memory_space<vmem>> -> memref<128x128xf32, #tpu.memory_space<vmem>>
        %dma_wait3A_315 = arith.constant 64 : i32
        %dma_wait3A_316 = arith.constant 0 : i32
        %dma_wait3A_317 = tpu.memref_slice %dma_wait3A_314[%dma_wait3A_315, %dma_wait3A_316] : memref<128x128xf32, #tpu.memory_space<vmem>> -> memref<26x128xf32, #tpu.memory_space<vmem>>
        %dma_wait3A_318 = arith.constant 0 : i32
        %dma_wait3A_319 = arith.constant 0 : i32
        %dma_wait3A_320 = tpu.memref_slice %run_scoped3A[%rem3A_199, %dma_wait3A_318, %dma_wait3A_319] : memref<2x1x128xi32, #tpu.memory_space<vmem>> -> memref<1x1x128xi32, #tpu.memory_space<vmem>>
        %dma_wait3A_321 = tpu.memref_squeeze %dma_wait3A_320 : memref<1x1x128xi32, #tpu.memory_space<vmem>> -> memref<1x128xi32, #tpu.memory_space<vmem>>
        %dma_wait3A_322 = arith.constant 52 : i32
        %dma_wait3A_323 = tpu.memref_slice %dma_wait3A_321[%dma_wait3A_310, %dma_wait3A_322] : memref<1x128xi32, #tpu.memory_space<vmem>> -> memref<1x26xi32, #tpu.memory_space<vmem>>
        %dma_wait3A_324 = tpu.memref_squeeze %dma_wait3A_323 : memref<1x26xi32, #tpu.memory_space<vmem>> -> memref<26xi32, #tpu.memory_space<vmem>>
        %dma_wait3A_325 = arith.constant 0 : i32
        %dma_wait3A_326 = arith.constant 0 : i32
        %dma_wait3A_327 = tpu.memref_slice %arg2[%dma_wait3A_325, %dma_wait3A_326] : memref<2600000x128xf32, #tpu.memory_space<hbm>> -> memref<2600000x128xf32, #tpu.memory_space<hbm>>
        tpu.wait_indirect_dma semaphore(%arg5 : memref<!tpu.dma_semaphore, #tpu.memory_space<semaphore_mem>>) src(%dma_wait3A_327 : memref<2600000x128xf32, #tpu.memory_space<hbm>>) dst(%dma_wait3A_317 : memref<26x128xf32, #tpu.memory_space<vmem>>)
        %dma_wait3A_328 = arith.constant 0 : i32
        %dma_wait3A_329 = arith.constant 0 : i32
        %dma_wait3A_330 = arith.constant 0 : i32
        %dma_wait3A_331 = tpu.memref_slice %run_scoped3A_8[%rem3A_201, %dma_wait3A_329, %dma_wait3A_330] : memref<2x128x128xf32, #tpu.memory_space<vmem>> -> memref<1x128x128xf32, #tpu.memory_space<vmem>>
        %dma_wait3A_332 = tpu.memref_squeeze %dma_wait3A_331 : memref<1x128x128xf32, #tpu.memory_space<vmem>> -> memref<128x128xf32, #tpu.memory_space<vmem>>
        %dma_wait3A_333 = arith.constant 96 : i32
        %dma_wait3A_334 = arith.constant 0 : i32
        %dma_wait3A_335 = tpu.memref_slice %dma_wait3A_332[%dma_wait3A_333, %dma_wait3A_334] : memref<128x128xf32, #tpu.memory_space<vmem>> -> memref<26x128xf32, #tpu.memory_space<vmem>>
        %dma_wait3A_336 = arith.constant 0 : i32
        %dma_wait3A_337 = arith.constant 0 : i32
        %dma_wait3A_338 = tpu.memref_slice %run_scoped3A[%rem3A_199, %dma_wait3A_336, %dma_wait3A_337] : memref<2x1x128xi32, #tpu.memory_space<vmem>> -> memref<1x1x128xi32, #tpu.memory_space<vmem>>
        %dma_wait3A_339 = tpu.memref_squeeze %dma_wait3A_338 : memref<1x1x128xi32, #tpu.memory_space<vmem>> -> memref<1x128xi32, #tpu.memory_space<vmem>>
        %dma_wait3A_340 = arith.constant 78 : i32
        %dma_wait3A_341 = tpu.memref_slice %dma_wait3A_339[%dma_wait3A_328, %dma_wait3A_340] : memref<1x128xi32, #tpu.memory_space<vmem>> -> memref<1x26xi32, #tpu.memory_space<vmem>>
        %dma_wait3A_342 = tpu.memref_squeeze %dma_wait3A_341 : memref<1x26xi32, #tpu.memory_space<vmem>> -> memref<26xi32, #tpu.memory_space<vmem>>
        %dma_wait3A_343 = arith.constant 0 : i32
        %dma_wait3A_344 = arith.constant 0 : i32
        %dma_wait3A_345 = tpu.memref_slice %arg2[%dma_wait3A_343, %dma_wait3A_344] : memref<2600000x128xf32, #tpu.memory_space<hbm>> -> memref<2600000x128xf32, #tpu.memory_space<hbm>>
        tpu.wait_indirect_dma semaphore(%arg5 : memref<!tpu.dma_semaphore, #tpu.memory_space<semaphore_mem>>) src(%dma_wait3A_345 : memref<2600000x128xf32, #tpu.memory_space<hbm>>) dst(%dma_wait3A_335 : memref<26x128xf32, #tpu.memory_space<vmem>>)
        "tpu.trace_stop"() : () -> ()
        %ne3A_346 = arith.cmpi ne, %add3A_131, %add3A_149 : i32
        %or3A_347 = arith.constant false
        %or3A_348 = arith.ori %or3A_347, %ne3A_346 : i1
        %or3A_349 = arith.constant false
        %or3A_350 = arith.ori %or3A_348, %or3A_349 : i1
        %or3A_351 = arith.ori %or3A_350, %eq3A_130 : i1
        %convert_element_type3A_352 = arith.extui %or3A_351 : i1 to i32
        %cond3A_353 = arith.constant 0 : i32
        %cond3A_354 = arith.cmpi ne, %convert_element_type3A_352, %cond3A_353 : i32
        scf.if %cond3A_354 {
        } else {
        }
        %and3A_355 = arith.constant false
        %and3A_356 = arith.andi %or3A_351, %and3A_355 : i1
        %ne3A_357 = arith.cmpi ne, %add3A_131, %add3A_149 : i32
        %or3A_358 = arith.constant false
        %or3A_359 = arith.ori %or3A_358, %ne3A_357 : i1
        %or3A_360 = arith.constant false
        %or3A_361 = arith.ori %or3A_359, %or3A_360 : i1
        %or3A_362 = arith.ori %or3A_361, %eq3A_130 : i1
        %convert_element_type3A_363 = arith.extui %or3A_362 : i1 to i32
        %cond3A_364 = arith.constant 0 : i32
        %cond3A_365 = arith.cmpi ne, %convert_element_type3A_363, %cond3A_364 : i32
        scf.if %cond3A_365 {
          "tpu.trace_start"() <{level = 10 : i32, message = "ep_copy_out"}> : () -> ()
          %rem3A_417 = arith.constant 2 : i32
          %rem3A_418 = arith.remui %scan3A_124, %rem3A_417 : i32
          %mul3A_419 = arith.constant 128 : i32
          %mul3A_420 = arith.muli %mul3A_419, %add3A_131 : i32
          %dma_start3A_421 = arith.constant 0 : i32
          %dma_start3A_422 = arith.constant 0 : i32
          %dma_start3A_423 = tpu.memref_slice %run_scoped3A_8[%rem3A_418, %dma_start3A_421, %dma_start3A_422] : memref<2x128x128xf32, #tpu.memory_space<vmem>> -> memref<1x128x128xf32, #tpu.memory_space<vmem>>
          %dma_start3A_424 = tpu.memref_squeeze %dma_start3A_423 : memref<1x128x128xf32, #tpu.memory_space<vmem>> -> memref<128x128xf32, #tpu.memory_space<vmem>>
          %dma_start3A_425 = arith.constant 0 : i32
          %dma_start3A_426 = tpu.memref_slice %arg4[%mul3A_420, %dma_start3A_425] : memref<65536x128xf32, #tpu.memory_space<hbm>> -> memref<128x128xf32, #tpu.memory_space<hbm>>
          %dma_start3A_427 = tpu.memref_slice %run_scoped3A_9[%rem3A_418] : memref<2x!tpu.dma_semaphore, #tpu.memory_space<semaphore_mem>> -> memref<1x!tpu.dma_semaphore, #tpu.memory_space<semaphore_mem>>
          %dma_start3A_428 = tpu.memref_squeeze %dma_start3A_427 : memref<1x!tpu.dma_semaphore, #tpu.memory_space<semaphore_mem>> -> memref<!tpu.dma_semaphore, #tpu.memory_space<semaphore_mem>>
          %dma_start3A_429 = arith.constant 0 : i32
          %dma_start3A_430 = tpu.memref_slice %arg4[%mul3A_420, %dma_start3A_429] : memref<65536x128xf32, #tpu.memory_space<hbm>> -> memref<128x128xf32, #tpu.memory_space<hbm>>
          %dma_start3A_431 = arith.constant 0 : i32
          %dma_start3A_432 = arith.constant 0 : i32
          %dma_start3A_433 = tpu.memref_slice %run_scoped3A_8[%rem3A_418, %dma_start3A_431, %dma_start3A_432] : memref<2x128x128xf32, #tpu.memory_space<vmem>> -> memref<1x128x128xf32, #tpu.memory_space<vmem>>
          %dma_start3A_434 = tpu.memref_squeeze %dma_start3A_433 : memref<1x128x128xf32, #tpu.memory_space<vmem>> -> memref<128x128xf32, #tpu.memory_space<vmem>>
          tpu.enqueue_dma source(%dma_start3A_434 : memref<128x128xf32, #tpu.memory_space<vmem>>) target(%dma_start3A_430 : memref<128x128xf32, #tpu.memory_space<hbm>>) target_semaphore(%dma_start3A_428 : memref<!tpu.dma_semaphore, #tpu.memory_space<semaphore_mem>>)
          "tpu.trace_stop"() : () -> ()
        } else {
        }
        %and3A_366 = arith.constant true
        %and3A_367 = arith.andi %or3A_362, %and3A_366 : i1
        %add3A_368 = arith.constant 1 : i32
        %add3A_369 = arith.addi %scan3A_124, %add3A_368 : i32
        %select_n3A_370 = arith.select %and3A_367, %add3A_369, %scan3A_124 : i32
        %ne3A_371 = arith.cmpi ne, %add3A_131, %add3A_140 : i32
        %or3A_372 = arith.constant false
        %or3A_373 = arith.ori %or3A_372, %ne3A_371 : i1
        %or3A_374 = arith.constant false
        %or3A_375 = arith.ori %or3A_373, %or3A_374 : i1
        %not3A_376 = arith.constant true
        %not3A_377 = arith.xori %eq3A_128, %not3A_376 : i1
        %and3A_378 = arith.andi %or3A_375, %not3A_377 : i1
        %convert_element_type3A_379 = arith.extui %and3A_378 : i1 to i32
        %cond3A_380 = arith.constant 0 : i32
        %cond3A_381 = arith.cmpi ne, %convert_element_type3A_379, %cond3A_380 : i32
        scf.if %cond3A_381 {
        } else {
        }
        %and3A_382 = arith.constant false
        %and3A_383 = arith.andi %and3A_378, %and3A_382 : i1
        %ne3A_384 = arith.cmpi ne, %add3A_131, %add3A_140 : i32
        %or3A_385 = arith.constant false
        %or3A_386 = arith.ori %or3A_385, %ne3A_384 : i1
        %or3A_387 = arith.constant false
        %or3A_388 = arith.ori %or3A_386, %or3A_387 : i1
        %not3A_389 = arith.constant true
        %not3A_390 = arith.xori %eq3A_128, %not3A_389 : i1
        %and3A_391 = arith.andi %or3A_388, %not3A_390 : i1
        %convert_element_type3A_392 = arith.extui %and3A_391 : i1 to i32
        %cond3A_393 = arith.constant 0 : i32
        %cond3A_394 = arith.cmpi ne, %convert_element_type3A_392, %cond3A_393 : i32
        scf.if %cond3A_394 {
          "tpu.trace_start"() <{level = 10 : i32, message = "ep_wait_out"}> : () -> ()
          %rem3A_417 = arith.constant 2 : i32
          %rem3A_418 = arith.remui %scan3A_125, %rem3A_417 : i32
          %mul3A_419 = arith.constant 128 : i32
          %mul3A_420 = arith.muli %mul3A_419, %add3A_140 : i32
          %dma_wait3A_421 = arith.constant 0 : i32
          %dma_wait3A_422 = arith.constant 0 : i32
          %dma_wait3A_423 = tpu.memref_slice %run_scoped3A_8[%rem3A_418, %dma_wait3A_421, %dma_wait3A_422] : memref<2x128x128xf32, #tpu.memory_space<vmem>> -> memref<1x128x128xf32, #tpu.memory_space<vmem>>
          %dma_wait3A_424 = tpu.memref_squeeze %dma_wait3A_423 : memref<1x128x128xf32, #tpu.memory_space<vmem>> -> memref<128x128xf32, #tpu.memory_space<vmem>>
          %dma_wait3A_425 = arith.constant 0 : i32
          %dma_wait3A_426 = tpu.memref_slice %arg4[%mul3A_420, %dma_wait3A_425] : memref<65536x128xf32, #tpu.memory_space<hbm>> -> memref<128x128xf32, #tpu.memory_space<hbm>>
          %dma_wait3A_427 = tpu.memref_slice %run_scoped3A_9[%rem3A_418] : memref<2x!tpu.dma_semaphore, #tpu.memory_space<semaphore_mem>> -> memref<1x!tpu.dma_semaphore, #tpu.memory_space<semaphore_mem>>
          %dma_wait3A_428 = tpu.memref_squeeze %dma_wait3A_427 : memref<1x!tpu.dma_semaphore, #tpu.memory_space<semaphore_mem>> -> memref<!tpu.dma_semaphore, #tpu.memory_space<semaphore_mem>>
          %dma_wait3A_429 = arith.constant 0 : i32
          %dma_wait3A_430 = tpu.memref_slice %arg4[%mul3A_420, %dma_wait3A_429] : memref<65536x128xf32, #tpu.memory_space<hbm>> -> memref<128x128xf32, #tpu.memory_space<hbm>>
          %dma_wait3A_431 = arith.constant 0 : i32
          %dma_wait3A_432 = arith.constant 0 : i32
          %dma_wait3A_433 = tpu.memref_slice %run_scoped3A_8[%rem3A_418, %dma_wait3A_431, %dma_wait3A_432] : memref<2x128x128xf32, #tpu.memory_space<vmem>> -> memref<1x128x128xf32, #tpu.memory_space<vmem>>
          %dma_wait3A_434 = tpu.memref_squeeze %dma_wait3A_433 : memref<1x128x128xf32, #tpu.memory_space<vmem>> -> memref<128x128xf32, #tpu.memory_space<vmem>>
          tpu.wait_dma2 semaphore(%dma_wait3A_428 : memref<!tpu.dma_semaphore, #tpu.memory_space<semaphore_mem>>) src(%dma_wait3A_434 : memref<128x128xf32, #tpu.memory_space<vmem>>) dst(%dma_wait3A_430 : memref<128x128xf32, #tpu.memory_space<hbm>>)
          "tpu.trace_stop"() : () -> ()
        } else {
        }
        %and3A_395 = arith.constant true
        %and3A_396 = arith.andi %and3A_391, %and3A_395 : i1
        %add3A_397 = arith.constant 1 : i32
        %add3A_398 = arith.addi %scan3A_125, %add3A_397 : i32
        %select_n3A_399 = arith.select %and3A_396, %add3A_398, %scan3A_125 : i32
        %ne3A_400 = arith.cmpi ne, %add3A_131, %add3A_149 : i32
        %or3A_401 = arith.constant false
        %or3A_402 = arith.ori %or3A_401, %ne3A_400 : i1
        %or3A_403 = arith.constant false
        %or3A_404 = arith.ori %or3A_402, %or3A_403 : i1
        %or3A_405 = arith.ori %or3A_404, %eq3A_130 : i1
        %add3A_406 = arith.constant 1 : i32
        %add3A_407 = arith.addi %scan3A_123, %add3A_406 : i32
        %select_n3A_408 = arith.select %or3A_405, %add3A_407, %scan3A_123 : i32
        %add3A_409 = arith.constant 1 : i32
        %add3A_410 = arith.addi %scan3A_126, %add3A_409 : i32
        %select_n3A_411 = arith.constant true
        %select_n3A_412 = arith.select %select_n3A_411, %add3A_410, %scan3A_126 : i32
        %eq3A_413 = arith.constant 16 : i32
        %eq3A_414 = arith.cmpi eq, %select_n3A_412, %eq3A_413 : i32
        %select_n3A_415 = arith.constant 0 : i32
        %select_n3A_416 = arith.select %eq3A_414, %select_n3A_415, %select_n3A_412 : i32
        scf.yield %select_n3A_169, %select_n3A_408, %select_n3A_370, %select_n3A_399, %select_n3A_416 : i32, i32, i32, i32, i32
      }
      %scan3A_68 = arith.constant 16 : i32
      %sub3A = arith.constant 1 : i32
      %sub3A_69 = arith.subi %scan3A_67#4, %sub3A : i32
      %select_n3A_70 = arith.constant true
      %select_n3A_71 = arith.select %select_n3A_70, %sub3A_69, %scan3A_67#4 : i32
      %eq3A_72 = arith.constant -1 : i32
      %eq3A_73 = arith.cmpi eq, %select_n3A_71, %eq3A_72 : i32
      %select_n3A_74 = arith.constant 15 : i32
      %select_n3A_75 = arith.select %eq3A_73, %select_n3A_74, %select_n3A_71 : i32
      %add3A_76 = arith.addi %select_n3A_75, %mul3A_6 : i32
      %sub3A_77 = arith.constant 1 : i32
      %sub3A_78 = arith.subi %select_n3A_75, %sub3A_77 : i32
      %select_n3A_79 = arith.constant true
      %select_n3A_80 = arith.select %select_n3A_79, %sub3A_78, %select_n3A_75 : i32
      %eq3A_81 = arith.constant -1 : i32
      %eq3A_82 = arith.cmpi eq, %select_n3A_80, %eq3A_81 : i32
      %select_n3A_83 = arith.constant 15 : i32
      %select_n3A_84 = arith.select %eq3A_82, %select_n3A_83, %select_n3A_80 : i32
      %add3A_85 = arith.addi %select_n3A_84, %mul3A_6 : i32
      %add3A_86 = arith.constant 1 : i32
      %add3A_87 = arith.addi %select_n3A_75, %add3A_86 : i32
      %select_n3A_88 = arith.constant true
      %select_n3A_89 = arith.select %select_n3A_88, %add3A_87, %select_n3A_75 : i32
      %eq3A_90 = arith.constant 16 : i32
      %eq3A_91 = arith.cmpi eq, %select_n3A_89, %eq3A_90 : i32
      %select_n3A_92 = arith.constant 0 : i32
      %select_n3A_93 = arith.select %eq3A_91, %select_n3A_92, %select_n3A_89 : i32
      %add3A_94 = arith.addi %select_n3A_93, %mul3A_6 : i32
      %add3A_95 = arith.constant 1 : i32
      %add3A_96 = arith.addi %select_n3A_93, %add3A_95 : i32
      %select_n3A_97 = arith.constant true
      %select_n3A_98 = arith.select %select_n3A_97, %add3A_96, %select_n3A_93 : i32
      %eq3A_99 = arith.constant 16 : i32
      %eq3A_100 = arith.cmpi eq, %select_n3A_98, %eq3A_99 : i32
      %select_n3A_101 = arith.constant 0 : i32
      %select_n3A_102 = arith.select %eq3A_100, %select_n3A_101, %select_n3A_98 : i32
      %add3A_103 = arith.addi %select_n3A_102, %mul3A_6 : i32
      "tpu.trace_start"() <{level = 10 : i32, message = "ep_finalize"}> : () -> ()
      %rem3A_104 = arith.constant 2 : i32
      %rem3A_105 = arith.remui %scan3A_67#3, %rem3A_104 : i32
      %mul3A_106 = arith.constant 128 : i32
      %mul3A_107 = arith.muli %mul3A_106, %add3A_76 : i32
      %dma_wait3A = arith.constant 0 : i32
      %dma_wait3A_108 = arith.constant 0 : i32
      %dma_wait3A_109 = tpu.memref_slice %run_scoped3A_8[%rem3A_105, %dma_wait3A, %dma_wait3A_108] : memref<2x128x128xf32, #tpu.memory_space<vmem>> -> memref<1x128x128xf32, #tpu.memory_space<vmem>>
      %dma_wait3A_110 = tpu.memref_squeeze %dma_wait3A_109 : memref<1x128x128xf32, #tpu.memory_space<vmem>> -> memref<128x128xf32, #tpu.memory_space<vmem>>
      %dma_wait3A_111 = arith.constant 0 : i32
      %dma_wait3A_112 = tpu.memref_slice %arg4[%mul3A_107, %dma_wait3A_111] : memref<65536x128xf32, #tpu.memory_space<hbm>> -> memref<128x128xf32, #tpu.memory_space<hbm>>
      %dma_wait3A_113 = tpu.memref_slice %run_scoped3A_9[%rem3A_105] : memref<2x!tpu.dma_semaphore, #tpu.memory_space<semaphore_mem>> -> memref<1x!tpu.dma_semaphore, #tpu.memory_space<semaphore_mem>>
      %dma_wait3A_114 = tpu.memref_squeeze %dma_wait3A_113 : memref<1x!tpu.dma_semaphore, #tpu.memory_space<semaphore_mem>> -> memref<!tpu.dma_semaphore, #tpu.memory_space<semaphore_mem>>
      %dma_wait3A_115 = arith.constant 0 : i32
      %dma_wait3A_116 = tpu.memref_slice %arg4[%mul3A_107, %dma_wait3A_115] : memref<65536x128xf32, #tpu.memory_space<hbm>> -> memref<128x128xf32, #tpu.memory_space<hbm>>
      %dma_wait3A_117 = arith.constant 0 : i32
      %dma_wait3A_118 = arith.constant 0 : i32
      %dma_wait3A_119 = tpu.memref_slice %run_scoped3A_8[%rem3A_105, %dma_wait3A_117, %dma_wait3A_118] : memref<2x128x128xf32, #tpu.memory_space<vmem>> -> memref<1x128x128xf32, #tpu.memory_space<vmem>>
      %dma_wait3A_120 = tpu.memref_squeeze %dma_wait3A_119 : memref<1x128x128xf32, #tpu.memory_space<vmem>> -> memref<128x128xf32, #tpu.memory_space<vmem>>
      tpu.wait_dma2 semaphore(%dma_wait3A_114 : memref<!tpu.dma_semaphore, #tpu.memory_space<semaphore_mem>>) src(%dma_wait3A_120 : memref<128x128xf32, #tpu.memory_space<vmem>>) dst(%dma_wait3A_116 : memref<128x128xf32, #tpu.memory_space<hbm>>)
      "tpu.trace_stop"() : () -> ()
      tpu.yield
    }) : () -> ()
    return
  }
}

#map = affine_map<(d0, d1) -> (0, 0)>
module attributes {stable_mosaic.version = 14 : i64} {
  func.func @gather_kernel(%arg0: i32, %arg1: i32, %arg2: memref<2600000x128xf32, #tpu.memory_space<hbm>>, %arg3: memref<512x128xi32, #tpu.memory_space<hbm>>, %arg4: memref<65536x128xf32, #tpu.memory_space<hbm>>, %arg5: memref<!tpu.dma_semaphore, #tpu.memory_space<semaphore_mem>>) attributes {dimension_semantics = [#tpu.dimension_semantics<core_parallel>, #tpu.dimension_semantics<subcore_parallel>], iteration_bounds = array<i64: 2, 16>, scalar_prefetch = 0 : i64, scratch_operands = 1 : i64, tpu.core_type = #tpu.core_type<sc_vector_subcore>, window_params = [{transform_indices = #map}, {transform_indices = #map}, {transform_indices = #map}]} {
    %mul3A = arith.constant 1 : i32
    %mul3A_0 = arith.muli %arg1, %mul3A : i32
    %add3A = arith.constant 0 : i32
    %add3A_1 = arith.addi %add3A, %mul3A_0 : i32
    %mul3A_2 = arith.constant 16 : i32
    %mul3A_3 = arith.muli %arg0, %mul3A_2 : i32
    %add3A_4 = arith.addi %add3A_1, %mul3A_3 : i32
    %mul3A_5 = arith.constant 16 : i32
    %mul3A_6 = arith.muli %add3A_4, %mul3A_5 : i32
    "tpu.region"() ({
      %run_scoped3A = memref.alloca() : memref<2x1x128xi32, #tpu.memory_space<vmem>>
      %run_scoped3A_7 = tpu.sem_alloc : memref<2x!tpu.dma_semaphore, #tpu.memory_space<semaphore_mem>>
      %run_scoped3A_8 = memref.alloca() : memref<2x128x128xf32, #tpu.memory_space<vmem>>
      %run_scoped3A_9 = tpu.sem_alloc : memref<2x!tpu.dma_semaphore, #tpu.memory_space<semaphore_mem>>
      %add3A_10 = arith.constant 0 : i32
      %add3A_11 = arith.addi %add3A_10, %mul3A_6 : i32
      %select_n3A = arith.constant true
      %select_n3A_12 = arith.constant 0 : i32
      %select_n3A_13 = arith.constant -1 : i32
      %select_n3A_14 = arith.select %select_n3A, %select_n3A_13, %select_n3A_12 : i32
      %eq3A = arith.constant -1 : i32
      %eq3A_15 = arith.cmpi eq, %select_n3A_14, %eq3A : i32
      %select_n3A_16 = arith.constant 15 : i32
      %select_n3A_17 = arith.select %eq3A_15, %select_n3A_16, %select_n3A_14 : i32
      %add3A_18 = arith.addi %select_n3A_17, %mul3A_6 : i32
      %select_n3A_19 = arith.constant true
      %select_n3A_20 = arith.constant 0 : i32
      %select_n3A_21 = arith.constant 1 : i32
      %select_n3A_22 = arith.select %select_n3A_19, %select_n3A_21, %select_n3A_20 : i32
      %eq3A_23 = arith.constant 16 : i32
      %eq3A_24 = arith.cmpi eq, %select_n3A_22, %eq3A_23 : i32
      %select_n3A_25 = arith.constant 0 : i32
      %select_n3A_26 = arith.select %eq3A_24, %select_n3A_25, %select_n3A_22 : i32
      %add3A_27 = arith.addi %select_n3A_26, %mul3A_6 : i32
      %add3A_28 = arith.constant 1 : i32
      %add3A_29 = arith.addi %select_n3A_26, %add3A_28 : i32
      %select_n3A_30 = arith.constant true
      %select_n3A_31 = arith.select %select_n3A_30, %add3A_29, %select_n3A_26 : i32
      %eq3A_32 = arith.constant 16 : i32
      %eq3A_33 = arith.cmpi eq, %select_n3A_31, %eq3A_32 : i32
      %select_n3A_34 = arith.constant 0 : i32
      %select_n3A_35 = arith.select %eq3A_33, %select_n3A_34, %select_n3A_31 : i32
      %add3A_36 = arith.addi %select_n3A_35, %mul3A_6 : i32
      "tpu.trace_start"() <{level = 10 : i32, message = "ep_initialize_0"}> : () -> ()
      %rem3A = arith.constant 0 : i32
      %rem3A_37 = arith.constant 2 : i32
      %rem3A_38 = arith.remui %rem3A, %rem3A_37 : i32
      %mul3A_39 = arith.constant 1 : i32
      %mul3A_40 = arith.muli %mul3A_39, %add3A_11 : i32
      %dma_start3A = arith.constant 0 : i32
      %dma_start3A_41 = arith.constant 0 : i32
      %dma_start3A_42 = tpu.memref_slice %run_scoped3A[%rem3A_38, %dma_start3A, %dma_start3A_41] : memref<2x1x128xi32, #tpu.memory_space<vmem>> -> memref<1x1x128xi32, #tpu.memory_space<vmem>>
      %dma_start3A_43 = tpu.memref_squeeze %dma_start3A_42 : memref<1x1x128xi32, #tpu.memory_space<vmem>> -> memref<1x128xi32, #tpu.memory_space<vmem>>
      %dma_start3A_44 = arith.constant 0 : i32
      %dma_start3A_45 = tpu.memref_slice %arg3[%mul3A_40, %dma_start3A_44] : memref<512x128xi32, #tpu.memory_space<hbm>> -> memref<1x128xi32, #tpu.memory_space<hbm>>
      %dma_start3A_46 = tpu.memref_slice %run_scoped3A_7[%rem3A_38] : memref<2x!tpu.dma_semaphore, #tpu.memory_space<semaphore_mem>> -> memref<1x!tpu.dma_semaphore, #tpu.memory_space<semaphore_mem>>
      %dma_start3A_47 = tpu.memref_squeeze %dma_start3A_46 : memref<1x!tpu.dma_semaphore, #tpu.memory_space<semaphore_mem>> -> memref<!tpu.dma_semaphore, #tpu.memory_space<semaphore_mem>>
      %dma_start3A_48 = arith.constant 0 : i32
      %dma_start3A_49 = arith.constant 0 : i32
      %dma_start3A_50 = tpu.memref_slice %run_scoped3A[%rem3A_38, %dma_start3A_48, %dma_start3A_49] : memref<2x1x128xi32, #tpu.memory_space<vmem>> -> memref<1x1x128xi32, #tpu.memory_space<vmem>>
      %dma_start3A_51 = tpu.memref_squeeze %dma_start3A_50 : memref<1x1x128xi32, #tpu.memory_space<vmem>> -> memref<1x128xi32, #tpu.memory_space<vmem>>
      %dma_start3A_52 = arith.constant 0 : i32
      %dma_start3A_53 = tpu.memref_slice %arg3[%mul3A_40, %dma_start3A_52] : memref<512x128xi32, #tpu.memory_space<hbm>> -> memref<1x128xi32, #tpu.memory_space<hbm>>
      tpu.enqueue_dma source(%dma_start3A_53 : memref<1x128xi32, #tpu.memory_space<hbm>>) target(%dma_start3A_51 : memref<1x128xi32, #tpu.memory_space<vmem>>) target_semaphore(%dma_start3A_47 : memref<!tpu.dma_semaphore, #tpu.memory_space<semaphore_mem>>)
      %add3A_54 = arith.constant 0 : i32
      %add3A_55 = arith.constant 1 : i32
      %add3A_56 = arith.addi %add3A_54, %add3A_55 : i32
      %select_n3A_57 = arith.constant true
      %select_n3A_58 = arith.constant 0 : i32
      %select_n3A_59 = arith.select %select_n3A_57, %add3A_56, %select_n3A_58 : i32
      "tpu.trace_stop"() : () -> ()
      %scan3A = arith.constant 0 : i32
      %scan3A_60 = arith.constant 0 : i32
      %scan3A_61 = arith.constant 0 : i32
      %scan3A_62 = arith.constant 0 : i32
      %scan3A_63 = arith.constant 0 : i32
      %scan3A_64 = arith.constant 16 : i32
      %scan3A_65 = arith.addi %scan3A_63, %scan3A_64 : i32
      %scan3A_66 = arith.constant 1 : i32
      %scan3A_67:5 = scf.for %scan3A_121 = %scan3A_63 to %scan3A_65 step %scan3A_66 iter_args(%scan3A_122 = %select_n3A_59, %scan3A_123 = %scan3A, %scan3A_124 = %scan3A_60, %scan3A_125 = %scan3A_61, %scan3A_126 = %scan3A_62) -> (i32, i32, i32, i32, i32)  : i32 {
        %eq3A_127 = arith.constant 0 : i32
        %eq3A_128 = arith.cmpi eq, %scan3A_121, %eq3A_127 : i32
        %eq3A_129 = arith.constant 15 : i32
        %eq3A_130 = arith.cmpi eq, %scan3A_121, %eq3A_129 : i32
        %add3A_131 = arith.addi %scan3A_126, %mul3A_6 : i32
        %sub3A_132 = arith.constant 1 : i32
        %sub3A_133 = arith.subi %scan3A_126, %sub3A_132 : i32
        %select_n3A_134 = arith.constant true
        %select_n3A_135 = arith.select %select_n3A_134, %sub3A_133, %scan3A_126 : i32
        %eq3A_136 = arith.constant -1 : i32
        %eq3A_137 = arith.cmpi eq, %select_n3A_135, %eq3A_136 : i32
        %select_n3A_138 = arith.constant 15 : i32
        %select_n3A_139 = arith.select %eq3A_137, %select_n3A_138, %select_n3A_135 : i32
        %add3A_140 = arith.addi %select_n3A_139, %mul3A_6 : i32
        %add3A_141 = arith.constant 1 : i32
        %add3A_142 = arith.addi %scan3A_126, %add3A_141 : i32
        %select_n3A_143 = arith.constant true
        %select_n3A_144 = arith.select %select_n3A_143, %add3A_142, %scan3A_126 : i32
        %eq3A_145 = arith.constant 16 : i32
        %eq3A_146 = arith.cmpi eq, %select_n3A_144, %eq3A_145 : i32
        %select_n3A_147 = arith.constant 0 : i32
        %select_n3A_148 = arith.select %eq3A_146, %select_n3A_147, %select_n3A_144 : i32
        %add3A_149 = arith.addi %select_n3A_148, %mul3A_6 : i32
        %add3A_150 = arith.constant 1 : i32
        %add3A_151 = arith.addi %select_n3A_148, %add3A_150 : i32
        %select_n3A_152 = arith.constant true
        %select_n3A_153 = arith.select %select_n3A_152, %add3A_151, %select_n3A_148 : i32
        %eq3A_154 = arith.constant 16 : i32
        %eq3A_155 = arith.cmpi eq, %select_n3A_153, %eq3A_154 : i32
        %select_n3A_156 = arith.constant 0 : i32
        %select_n3A_157 = arith.select %eq3A_155, %select_n3A_156, %select_n3A_153 : i32
        %add3A_158 = arith.addi %select_n3A_157, %mul3A_6 : i32
        %ne3A = arith.cmpi ne, %add3A_131, %add3A_149 : i32
        %or3A = arith.constant false
        %or3A_159 = arith.ori %or3A, %ne3A : i1
        %or3A_160 = arith.constant false
        %or3A_161 = arith.ori %or3A_159, %or3A_160 : i1
        %ge3A = arith.constant 15 : i32
        %ge3A_162 = arith.cmpi sge, %scan3A_121, %ge3A : i32
        %not3A = arith.constant true
        %not3A_163 = arith.xori %ge3A_162, %not3A : i1
        %and3A = arith.andi %or3A_161, %not3A_163 : i1
        %convert_element_type3A = arith.extui %and3A : i1 to i32
        %cond3A = arith.constant 0 : i32
        %cond3A_164 = arith.cmpi ne, %convert_element_type3A, %cond3A : i32
        scf.if %cond3A_164 {
          "tpu.trace_start"() <{level = 10 : i32, message = "ep_copy_in"}> : () -> ()
          %rem3A_417 = arith.constant 2 : i32
          %rem3A_418 = arith.remui %scan3A_122, %rem3A_417 : i32
          %mul3A_419 = arith.constant 1 : i32
          %mul3A_420 = arith.muli %mul3A_419, %add3A_149 : i32
          %dma_start3A_421 = arith.constant 0 : i32
          %dma_start3A_422 = arith.constant 0 : i32
          %dma_start3A_423 = tpu.memref_slice %run_scoped3A[%rem3A_418, %dma_start3A_421, %dma_start3A_422] : memref<2x1x128xi32, #tpu.memory_space<vmem>> -> memref<1x1x128xi32, #tpu.memory_space<vmem>>
          %dma_start3A_424 = tpu.memref_squeeze %dma_start3A_423 : memref<1x1x128xi32, #tpu.memory_space<vmem>> -> memref<1x128xi32, #tpu.memory_space<vmem>>
          %dma_start3A_425 = arith.constant 0 : i32
          %dma_start3A_426 = tpu.memref_slice %arg3[%mul3A_420, %dma_start3A_425] : memref<512x128xi32, #tpu.memory_space<hbm>> -> memref<1x128xi32, #tpu.memory_space<hbm>>
          %dma_start3A_427 = tpu.memref_slice %run_scoped3A_7[%rem3A_418] : memref<2x!tpu.dma_semaphore, #tpu.memory_space<semaphore_mem>> -> memref<1x!tpu.dma_semaphore, #tpu.memory_space<semaphore_mem>>
          %dma_start3A_428 = tpu.memref_squeeze %dma_start3A_427 : memref<1x!tpu.dma_semaphore, #tpu.memory_space<semaphore_mem>> -> memref<!tpu.dma_semaphore, #tpu.memory_space<semaphore_mem>>
          %dma_start3A_429 = arith.constant 0 : i32
          %dma_start3A_430 = arith.constant 0 : i32
          %dma_start3A_431 = tpu.memref_slice %run_scoped3A[%rem3A_418, %dma_start3A_429, %dma_start3A_430] : memref<2x1x128xi32, #tpu.memory_space<vmem>> -> memref<1x1x128xi32, #tpu.memory_space<vmem>>
          %dma_start3A_432 = tpu.memref_squeeze %dma_start3A_431 : memref<1x1x128xi32, #tpu.memory_space<vmem>> -> memref<1x128xi32, #tpu.memory_space<vmem>>
          %dma_start3A_433 = arith.constant 0 : i32
          %dma_start3A_434 = tpu.memref_slice %arg3[%mul3A_420, %dma_start3A_433] : memref<512x128xi32, #tpu.memory_space<hbm>> -> memref<1x128xi32, #tpu.memory_space<hbm>>
          tpu.enqueue_dma source(%dma_start3A_434 : memref<1x128xi32, #tpu.memory_space<hbm>>) target(%dma_start3A_432 : memref<1x128xi32, #tpu.memory_space<vmem>>) target_semaphore(%dma_start3A_428 : memref<!tpu.dma_semaphore, #tpu.memory_space<semaphore_mem>>)
          "tpu.trace_stop"() : () -> ()
        } else {
        }
        %and3A_165 = arith.constant true
        %and3A_166 = arith.andi %and3A, %and3A_165 : i1
        %add3A_167 = arith.constant 1 : i32
        %add3A_168 = arith.addi %scan3A_122, %add3A_167 : i32
        %select_n3A_169 = arith.select %and3A_166, %add3A_168, %scan3A_122 : i32
        %ne3A_170 = arith.cmpi ne, %add3A_131, %add3A_149 : i32
        %or3A_171 = arith.constant false
        %or3A_172 = arith.ori %or3A_171, %ne3A_170 : i1
        %or3A_173 = arith.constant false
        %or3A_174 = arith.ori %or3A_172, %or3A_173 : i1
        %ge3A_175 = arith.constant 15 : i32
        %ge3A_176 = arith.cmpi sge, %scan3A_121, %ge3A_175 : i32
        %not3A_177 = arith.constant true
        %not3A_178 = arith.xori %ge3A_176, %not3A_177 : i1
        %and3A_179 = arith.andi %or3A_174, %not3A_178 : i1
        %ne3A_180 = arith.cmpi ne, %add3A_131, %add3A_140 : i32
        %or3A_181 = arith.constant false
        %or3A_182 = arith.ori %or3A_181, %ne3A_180 : i1
        %or3A_183 = arith.constant false
        %or3A_184 = arith.ori %or3A_182, %or3A_183 : i1
        %or3A_185 = arith.ori %or3A_184, %eq3A_128 : i1
        %convert_element_type3A_186 = arith.extui %or3A_185 : i1 to i32
        %cond3A_187 = arith.constant 0 : i32
        %cond3A_188 = arith.cmpi ne, %convert_element_type3A_186, %cond3A_187 : i32
        scf.if %cond3A_188 {
          "tpu.trace_start"() <{level = 10 : i32, message = "ep_wait_in"}> : () -> ()
          %mul3A_417 = arith.constant 1 : i32
          %mul3A_418 = arith.muli %mul3A_417, %add3A_131 : i32
          %rem3A_419 = arith.constant 2 : i32
          %rem3A_420 = arith.remui %scan3A_123, %rem3A_419 : i32
          %dma_wait3A_421 = arith.constant 0 : i32
          %dma_wait3A_422 = arith.constant 0 : i32
          %dma_wait3A_423 = tpu.memref_slice %run_scoped3A[%rem3A_420, %dma_wait3A_421, %dma_wait3A_422] : memref<2x1x128xi32, #tpu.memory_space<vmem>> -> memref<1x1x128xi32, #tpu.memory_space<vmem>>
          %dma_wait3A_424 = tpu.memref_squeeze %dma_wait3A_423 : memref<1x1x128xi32, #tpu.memory_space<vmem>> -> memref<1x128xi32, #tpu.memory_space<vmem>>
          %dma_wait3A_425 = arith.constant 0 : i32
          %dma_wait3A_426 = tpu.memref_slice %arg3[%mul3A_418, %dma_wait3A_425] : memref<512x128xi32, #tpu.memory_space<hbm>> -> memref<1x128xi32, #tpu.memory_space<hbm>>
          %dma_wait3A_427 = tpu.memref_slice %run_scoped3A_7[%rem3A_420] : memref<2x!tpu.dma_semaphore, #tpu.memory_space<semaphore_mem>> -> memref<1x!tpu.dma_semaphore, #tpu.memory_space<semaphore_mem>>
          %dma_wait3A_428 = tpu.memref_squeeze %dma_wait3A_427 : memref<1x!tpu.dma_semaphore, #tpu.memory_space<semaphore_mem>> -> memref<!tpu.dma_semaphore, #tpu.memory_space<semaphore_mem>>
          %dma_wait3A_429 = arith.constant 0 : i32
          %dma_wait3A_430 = arith.constant 0 : i32
          %dma_wait3A_431 = tpu.memref_slice %run_scoped3A[%rem3A_420, %dma_wait3A_429, %dma_wait3A_430] : memref<2x1x128xi32, #tpu.memory_space<vmem>> -> memref<1x1x128xi32, #tpu.memory_space<vmem>>
          %dma_wait3A_432 = tpu.memref_squeeze %dma_wait3A_431 : memref<1x1x128xi32, #tpu.memory_space<vmem>> -> memref<1x128xi32, #tpu.memory_space<vmem>>
          %dma_wait3A_433 = arith.constant 0 : i32
          %dma_wait3A_434 = tpu.memref_slice %arg3[%mul3A_418, %dma_wait3A_433] : memref<512x128xi32, #tpu.memory_space<hbm>> -> memref<1x128xi32, #tpu.memory_space<hbm>>
          tpu.wait_dma2 semaphore(%dma_wait3A_428 : memref<!tpu.dma_semaphore, #tpu.memory_space<semaphore_mem>>) src(%dma_wait3A_434 : memref<1x128xi32, #tpu.memory_space<hbm>>) dst(%dma_wait3A_432 : memref<1x128xi32, #tpu.memory_space<vmem>>)
          "tpu.trace_stop"() : () -> ()
        } else {
        }
        %ne3A_189 = arith.cmpi ne, %add3A_131, %add3A_140 : i32
        %or3A_190 = arith.constant false
        %or3A_191 = arith.ori %or3A_190, %ne3A_189 : i1
        %or3A_192 = arith.constant false
        %or3A_193 = arith.ori %or3A_191, %or3A_192 : i1
        %or3A_194 = arith.ori %or3A_193, %eq3A_128 : i1
        %convert_element_type3A_195 = arith.extui %or3A_194 : i1 to i32
        %cond3A_196 = arith.constant 0 : i32
        %cond3A_197 = arith.cmpi ne, %convert_element_type3A_195, %cond3A_196 : i32
        scf.if %cond3A_197 {
        } else {
        }
        %rem3A_198 = arith.constant 2 : i32
        %rem3A_199 = arith.remui %scan3A_123, %rem3A_198 : i32
        %rem3A_200 = arith.constant 2 : i32
        %rem3A_201 = arith.remui %scan3A_124, %rem3A_200 : i32
        %dma_start3A_202 = arith.constant 0 : i32
        "tpu.trace_start"() <{level = 10 : i32, message = "ep_run_kernel"}> : () -> ()
        %dma_start3A_203 = arith.constant 0 : i32
        %dma_start3A_204 = arith.constant 0 : i32
        %dma_start3A_205 = tpu.memref_slice %run_scoped3A_8[%rem3A_201, %dma_start3A_203, %dma_start3A_204] : memref<2x128x128xf32, #tpu.memory_space<vmem>> -> memref<1x128x128xf32, #tpu.memory_space<vmem>>
        %dma_start3A_206 = tpu.memref_squeeze %dma_start3A_205 : memref<1x128x128xf32, #tpu.memory_space<vmem>> -> memref<128x128xf32, #tpu.memory_space<vmem>>
        %dma_start3A_207 = arith.constant 0 : i32
        %dma_start3A_208 = arith.constant 0 : i32
        %dma_start3A_209 = tpu.memref_slice %dma_start3A_206[%dma_start3A_207, %dma_start3A_208] : memref<128x128xf32, #tpu.memory_space<vmem>> -> memref<26x128xf32, #tpu.memory_space<vmem>>
        %dma_start3A_210 = arith.constant 0 : i32
        %dma_start3A_211 = arith.constant 0 : i32
        %dma_start3A_212 = tpu.memref_slice %run_scoped3A[%rem3A_199, %dma_start3A_210, %dma_start3A_211] : memref<2x1x128xi32, #tpu.memory_space<vmem>> -> memref<1x1x128xi32, #tpu.memory_space<vmem>>
        %dma_start3A_213 = tpu.memref_squeeze %dma_start3A_212 : memref<1x1x128xi32, #tpu.memory_space<vmem>> -> memref<1x128xi32, #tpu.memory_space<vmem>>
        %dma_start3A_214 = arith.constant 0 : i32
        %dma_start3A_215 = tpu.memref_slice %dma_start3A_213[%dma_start3A_202, %dma_start3A_214] : memref<1x128xi32, #tpu.memory_space<vmem>> -> memref<1x26xi32, #tpu.memory_space<vmem>>
        %dma_start3A_216 = tpu.memref_squeeze %dma_start3A_215 : memref<1x26xi32, #tpu.memory_space<vmem>> -> memref<26xi32, #tpu.memory_space<vmem>>
        %dma_start3A_217 = arith.constant 0 : i32
        %dma_start3A_218 = arith.constant 0 : i32
        %dma_start3A_219 = tpu.memref_slice %arg2[%dma_start3A_217, %dma_start3A_218] : memref<2600000x128xf32, #tpu.memory_space<hbm>> -> memref<2600000x128xf32, #tpu.memory_space<hbm>>
        tpu.enqueue_indirect_dma source(%dma_start3A_219 : memref<2600000x128xf32, #tpu.memory_space<hbm>>) target(%dma_start3A_209 : memref<26x128xf32, #tpu.memory_space<vmem>>) offsets(%dma_start3A_216 : memref<26xi32, #tpu.memory_space<vmem>>) semaphore(%arg5 : memref<!tpu.dma_semaphore, #tpu.memory_space<semaphore_mem>>)
        %dma_start3A_220 = arith.constant 0 : i32
        %dma_start3A_221 = arith.constant 0 : i32
        %dma_start3A_222 = arith.constant 0 : i32
        %dma_start3A_223 = tpu.memref_slice %run_scoped3A_8[%rem3A_201, %dma_start3A_221, %dma_start3A_222] : memref<2x128x128xf32, #tpu.memory_space<vmem>> -> memref<1x128x128xf32, #tpu.memory_space<vmem>>
        %dma_start3A_224 = tpu.memref_squeeze %dma_start3A_223 : memref<1x128x128xf32, #tpu.memory_space<vmem>> -> memref<128x128xf32, #tpu.memory_space<vmem>>
        %dma_start3A_225 = arith.constant 32 : i32
        %dma_start3A_226 = arith.constant 0 : i32
        %dma_start3A_227 = tpu.memref_slice %dma_start3A_224[%dma_start3A_225, %dma_start3A_226] : memref<128x128xf32, #tpu.memory_space<vmem>> -> memref<26x128xf32, #tpu.memory_space<vmem>>
        %dma_start3A_228 = arith.constant 0 : i32
        %dma_start3A_229 = arith.constant 0 : i32
        %dma_start3A_230 = tpu.memref_slice %run_scoped3A[%rem3A_199, %dma_start3A_228, %dma_start3A_229] : memref<2x1x128xi32, #tpu.memory_space<vmem>> -> memref<1x1x128xi32, #tpu.memory_space<vmem>>
        %dma_start3A_231 = tpu.memref_squeeze %dma_start3A_230 : memref<1x1x128xi32, #tpu.memory_space<vmem>> -> memref<1x128xi32, #tpu.memory_space<vmem>>
        %dma_start3A_232 = arith.constant 26 : i32
        %dma_start3A_233 = tpu.memref_slice %dma_start3A_231[%dma_start3A_220, %dma_start3A_232] : memref<1x128xi32, #tpu.memory_space<vmem>> -> memref<1x26xi32, #tpu.memory_space<vmem>>
        %dma_start3A_234 = tpu.memref_squeeze %dma_start3A_233 : memref<1x26xi32, #tpu.memory_space<vmem>> -> memref<26xi32, #tpu.memory_space<vmem>>
        %dma_start3A_235 = arith.constant 0 : i32
        %dma_start3A_236 = arith.constant 0 : i32
        %dma_start3A_237 = tpu.memref_slice %arg2[%dma_start3A_235, %dma_start3A_236] : memref<2600000x128xf32, #tpu.memory_space<hbm>> -> memref<2600000x128xf32, #tpu.memory_space<hbm>>
        tpu.enqueue_indirect_dma source(%dma_start3A_237 : memref<2600000x128xf32, #tpu.memory_space<hbm>>) target(%dma_start3A_227 : memref<26x128xf32, #tpu.memory_space<vmem>>) offsets(%dma_start3A_234 : memref<26xi32, #tpu.memory_space<vmem>>) semaphore(%arg5 : memref<!tpu.dma_semaphore, #tpu.memory_space<semaphore_mem>>)
        %dma_start3A_238 = arith.constant 0 : i32
        %dma_start3A_239 = arith.constant 0 : i32
        %dma_start3A_240 = arith.constant 0 : i32
        %dma_start3A_241 = tpu.memref_slice %run_scoped3A_8[%rem3A_201, %dma_start3A_239, %dma_start3A_240] : memref<2x128x128xf32, #tpu.memory_space<vmem>> -> memref<1x128x128xf32, #tpu.memory_space<vmem>>
        %dma_start3A_242 = tpu.memref_squeeze %dma_start3A_241 : memref<1x128x128xf32, #tpu.memory_space<vmem>> -> memref<128x128xf32, #tpu.memory_space<vmem>>
        %dma_start3A_243 = arith.constant 64 : i32
        %dma_start3A_244 = arith.constant 0 : i32
        %dma_start3A_245 = tpu.memref_slice %dma_start3A_242[%dma_start3A_243, %dma_start3A_244] : memref<128x128xf32, #tpu.memory_space<vmem>> -> memref<26x128xf32, #tpu.memory_space<vmem>>
        %dma_start3A_246 = arith.constant 0 : i32
        %dma_start3A_247 = arith.constant 0 : i32
        %dma_start3A_248 = tpu.memref_slice %run_scoped3A[%rem3A_199, %dma_start3A_246, %dma_start3A_247] : memref<2x1x128xi32, #tpu.memory_space<vmem>> -> memref<1x1x128xi32, #tpu.memory_space<vmem>>
        %dma_start3A_249 = tpu.memref_squeeze %dma_start3A_248 : memref<1x1x128xi32, #tpu.memory_space<vmem>> -> memref<1x128xi32, #tpu.memory_space<vmem>>
        %dma_start3A_250 = arith.constant 52 : i32
        %dma_start3A_251 = tpu.memref_slice %dma_start3A_249[%dma_start3A_238, %dma_start3A_250] : memref<1x128xi32, #tpu.memory_space<vmem>> -> memref<1x26xi32, #tpu.memory_space<vmem>>
        %dma_start3A_252 = tpu.memref_squeeze %dma_start3A_251 : memref<1x26xi32, #tpu.memory_space<vmem>> -> memref<26xi32, #tpu.memory_space<vmem>>
        %dma_start3A_253 = arith.constant 0 : i32
        %dma_start3A_254 = arith.constant 0 : i32
        %dma_start3A_255 = tpu.memref_slice %arg2[%dma_start3A_253, %dma_start3A_254] : memref<2600000x128xf32, #tpu.memory_space<hbm>> -> memref<2600000x128xf32, #tpu.memory_space<hbm>>
        tpu.enqueue_indirect_dma source(%dma_start3A_255 : memref<2600000x128xf32, #tpu.memory_space<hbm>>) target(%dma_start3A_245 : memref<26x128xf32, #tpu.memory_space<vmem>>) offsets(%dma_start3A_252 : memref<26xi32, #tpu.memory_space<vmem>>) semaphore(%arg5 : memref<!tpu.dma_semaphore, #tpu.memory_space<semaphore_mem>>)
        %dma_start3A_256 = arith.constant 0 : i32
        %dma_start3A_257 = arith.constant 0 : i32
        %dma_start3A_258 = arith.constant 0 : i32
        %dma_start3A_259 = tpu.memref_slice %run_scoped3A_8[%rem3A_201, %dma_start3A_257, %dma_start3A_258] : memref<2x128x128xf32, #tpu.memory_space<vmem>> -> memref<1x128x128xf32, #tpu.memory_space<vmem>>
        %dma_start3A_260 = tpu.memref_squeeze %dma_start3A_259 : memref<1x128x128xf32, #tpu.memory_space<vmem>> -> memref<128x128xf32, #tpu.memory_space<vmem>>
        %dma_start3A_261 = arith.constant 96 : i32
        %dma_start3A_262 = arith.constant 0 : i32
        %dma_start3A_263 = tpu.memref_slice %dma_start3A_260[%dma_start3A_261, %dma_start3A_262] : memref<128x128xf32, #tpu.memory_space<vmem>> -> memref<26x128xf32, #tpu.memory_space<vmem>>
        %dma_start3A_264 = arith.constant 0 : i32
        %dma_start3A_265 = arith.constant 0 : i32
        %dma_start3A_266 = tpu.memref_slice %run_scoped3A[%rem3A_199, %dma_start3A_264, %dma_start3A_265] : memref<2x1x128xi32, #tpu.memory_space<vmem>> -> memref<1x1x128xi32, #tpu.memory_space<vmem>>
        %dma_start3A_267 = tpu.memref_squeeze %dma_start3A_266 : memref<1x1x128xi32, #tpu.memory_space<vmem>> -> memref<1x128xi32, #tpu.memory_space<vmem>>
        %dma_start3A_268 = arith.constant 78 : i32
        %dma_start3A_269 = tpu.memref_slice %dma_start3A_267[%dma_start3A_256, %dma_start3A_268] : memref<1x128xi32, #tpu.memory_space<vmem>> -> memref<1x26xi32, #tpu.memory_space<vmem>>
        %dma_start3A_270 = tpu.memref_squeeze %dma_start3A_269 : memref<1x26xi32, #tpu.memory_space<vmem>> -> memref<26xi32, #tpu.memory_space<vmem>>
        %dma_start3A_271 = arith.constant 0 : i32
        %dma_start3A_272 = arith.constant 0 : i32
        %dma_start3A_273 = tpu.memref_slice %arg2[%dma_start3A_271, %dma_start3A_272] : memref<2600000x128xf32, #tpu.memory_space<hbm>> -> memref<2600000x128xf32, #tpu.memory_space<hbm>>
        tpu.enqueue_indirect_dma source(%dma_start3A_273 : memref<2600000x128xf32, #tpu.memory_space<hbm>>) target(%dma_start3A_263 : memref<26x128xf32, #tpu.memory_space<vmem>>) offsets(%dma_start3A_270 : memref<26xi32, #tpu.memory_space<vmem>>) semaphore(%arg5 : memref<!tpu.dma_semaphore, #tpu.memory_space<semaphore_mem>>)
        %dma_wait3A_274 = arith.constant 0 : i32
        %dma_wait3A_275 = arith.constant 0 : i32
        %dma_wait3A_276 = arith.constant 0 : i32
        %dma_wait3A_277 = tpu.memref_slice %run_scoped3A_8[%rem3A_201, %dma_wait3A_275, %dma_wait3A_276] : memref<2x128x128xf32, #tpu.memory_space<vmem>> -> memref<1x128x128xf32, #tpu.memory_space<vmem>>
        %dma_wait3A_278 = tpu.memref_squeeze %dma_wait3A_277 : memref<1x128x128xf32, #tpu.memory_space<vmem>> -> memref<128x128xf32, #tpu.memory_space<vmem>>
        %dma_wait3A_279 = arith.constant 0 : i32
        %dma_wait3A_280 = arith.constant 0 : i32
        %dma_wait3A_281 = tpu.memref_slice %dma_wait3A_278[%dma_wait3A_279, %dma_wait3A_280] : memref<128x128xf32, #tpu.memory_space<vmem>> -> memref<26x128xf32, #tpu.memory_space<vmem>>
        %dma_wait3A_282 = arith.constant 0 : i32
        %dma_wait3A_283 = arith.constant 0 : i32
        %dma_wait3A_284 = tpu.memref_slice %run_scoped3A[%rem3A_199, %dma_wait3A_282, %dma_wait3A_283] : memref<2x1x128xi32, #tpu.memory_space<vmem>> -> memref<1x1x128xi32, #tpu.memory_space<vmem>>
        %dma_wait3A_285 = tpu.memref_squeeze %dma_wait3A_284 : memref<1x1x128xi32, #tpu.memory_space<vmem>> -> memref<1x128xi32, #tpu.memory_space<vmem>>
        %dma_wait3A_286 = arith.constant 0 : i32
        %dma_wait3A_287 = tpu.memref_slice %dma_wait3A_285[%dma_wait3A_274, %dma_wait3A_286] : memref<1x128xi32, #tpu.memory_space<vmem>> -> memref<1x26xi32, #tpu.memory_space<vmem>>
        %dma_wait3A_288 = tpu.memref_squeeze %dma_wait3A_287 : memref<1x26xi32, #tpu.memory_space<vmem>> -> memref<26xi32, #tpu.memory_space<vmem>>
        %dma_wait3A_289 = arith.constant 0 : i32
        %dma_wait3A_290 = arith.constant 0 : i32
        %dma_wait3A_291 = tpu.memref_slice %arg2[%dma_wait3A_289, %dma_wait3A_290] : memref<2600000x128xf32, #tpu.memory_space<hbm>> -> memref<2600000x128xf32, #tpu.memory_space<hbm>>
        tpu.wait_indirect_dma semaphore(%arg5 : memref<!tpu.dma_semaphore, #tpu.memory_space<semaphore_mem>>) src(%dma_wait3A_291 : memref<2600000x128xf32, #tpu.memory_space<hbm>>) dst(%dma_wait3A_281 : memref<26x128xf32, #tpu.memory_space<vmem>>)
        %dma_wait3A_292 = arith.constant 0 : i32
        %dma_wait3A_293 = arith.constant 0 : i32
        %dma_wait3A_294 = arith.constant 0 : i32
        %dma_wait3A_295 = tpu.memref_slice %run_scoped3A_8[%rem3A_201, %dma_wait3A_293, %dma_wait3A_294] : memref<2x128x128xf32, #tpu.memory_space<vmem>> -> memref<1x128x128xf32, #tpu.memory_space<vmem>>
        %dma_wait3A_296 = tpu.memref_squeeze %dma_wait3A_295 : memref<1x128x128xf32, #tpu.memory_space<vmem>> -> memref<128x128xf32, #tpu.memory_space<vmem>>
        %dma_wait3A_297 = arith.constant 32 : i32
        %dma_wait3A_298 = arith.constant 0 : i32
        %dma_wait3A_299 = tpu.memref_slice %dma_wait3A_296[%dma_wait3A_297, %dma_wait3A_298] : memref<128x128xf32, #tpu.memory_space<vmem>> -> memref<26x128xf32, #tpu.memory_space<vmem>>
        %dma_wait3A_300 = arith.constant 0 : i32
        %dma_wait3A_301 = arith.constant 0 : i32
        %dma_wait3A_302 = tpu.memref_slice %run_scoped3A[%rem3A_199, %dma_wait3A_300, %dma_wait3A_301] : memref<2x1x128xi32, #tpu.memory_space<vmem>> -> memref<1x1x128xi32, #tpu.memory_space<vmem>>
        %dma_wait3A_303 = tpu.memref_squeeze %dma_wait3A_302 : memref<1x1x128xi32, #tpu.memory_space<vmem>> -> memref<1x128xi32, #tpu.memory_space<vmem>>
        %dma_wait3A_304 = arith.constant 26 : i32
        %dma_wait3A_305 = tpu.memref_slice %dma_wait3A_303[%dma_wait3A_292, %dma_wait3A_304] : memref<1x128xi32, #tpu.memory_space<vmem>> -> memref<1x26xi32, #tpu.memory_space<vmem>>
        %dma_wait3A_306 = tpu.memref_squeeze %dma_wait3A_305 : memref<1x26xi32, #tpu.memory_space<vmem>> -> memref<26xi32, #tpu.memory_space<vmem>>
        %dma_wait3A_307 = arith.constant 0 : i32
        %dma_wait3A_308 = arith.constant 0 : i32
        %dma_wait3A_309 = tpu.memref_slice %arg2[%dma_wait3A_307, %dma_wait3A_308] : memref<2600000x128xf32, #tpu.memory_space<hbm>> -> memref<2600000x128xf32, #tpu.memory_space<hbm>>
        tpu.wait_indirect_dma semaphore(%arg5 : memref<!tpu.dma_semaphore, #tpu.memory_space<semaphore_mem>>) src(%dma_wait3A_309 : memref<2600000x128xf32, #tpu.memory_space<hbm>>) dst(%dma_wait3A_299 : memref<26x128xf32, #tpu.memory_space<vmem>>)
        %dma_wait3A_310 = arith.constant 0 : i32
        %dma_wait3A_311 = arith.constant 0 : i32
        %dma_wait3A_312 = arith.constant 0 : i32
        %dma_wait3A_313 = tpu.memref_slice %run_scoped3A_8[%rem3A_201, %dma_wait3A_311, %dma_wait3A_312] : memref<2x128x128xf32, #tpu.memory_space<vmem>> -> memref<1x128x128xf32, #tpu.memory_space<vmem>>
        %dma_wait3A_314 = tpu.memref_squeeze %dma_wait3A_313 : memref<1x128x128xf32, #tpu.memory_space<vmem>> -> memref<128x128xf32, #tpu.memory_space<vmem>>
        %dma_wait3A_315 = arith.constant 64 : i32
        %dma_wait3A_316 = arith.constant 0 : i32
        %dma_wait3A_317 = tpu.memref_slice %dma_wait3A_314[%dma_wait3A_315, %dma_wait3A_316] : memref<128x128xf32, #tpu.memory_space<vmem>> -> memref<26x128xf32, #tpu.memory_space<vmem>>
        %dma_wait3A_318 = arith.constant 0 : i32
        %dma_wait3A_319 = arith.constant 0 : i32
        %dma_wait3A_320 = tpu.memref_slice %run_scoped3A[%rem3A_199, %dma_wait3A_318, %dma_wait3A_319] : memref<2x1x128xi32, #tpu.memory_space<vmem>> -> memref<1x1x128xi32, #tpu.memory_space<vmem>>
        %dma_wait3A_321 = tpu.memref_squeeze %dma_wait3A_320 : memref<1x1x128xi32, #tpu.memory_space<vmem>> -> memref<1x128xi32, #tpu.memory_space<vmem>>
        %dma_wait3A_322 = arith.constant 52 : i32
        %dma_wait3A_323 = tpu.memref_slice %dma_wait3A_321[%dma_wait3A_310, %dma_wait3A_322] : memref<1x128xi32, #tpu.memory_space<vmem>> -> memref<1x26xi32, #tpu.memory_space<vmem>>
        %dma_wait3A_324 = tpu.memref_squeeze %dma_wait3A_323 : memref<1x26xi32, #tpu.memory_space<vmem>> -> memref<26xi32, #tpu.memory_space<vmem>>
        %dma_wait3A_325 = arith.constant 0 : i32
        %dma_wait3A_326 = arith.constant 0 : i32
        %dma_wait3A_327 = tpu.memref_slice %arg2[%dma_wait3A_325, %dma_wait3A_326] : memref<2600000x128xf32, #tpu.memory_space<hbm>> -> memref<2600000x128xf32, #tpu.memory_space<hbm>>
        tpu.wait_indirect_dma semaphore(%arg5 : memref<!tpu.dma_semaphore, #tpu.memory_space<semaphore_mem>>) src(%dma_wait3A_327 : memref<2600000x128xf32, #tpu.memory_space<hbm>>) dst(%dma_wait3A_317 : memref<26x128xf32, #tpu.memory_space<vmem>>)
        %dma_wait3A_328 = arith.constant 0 : i32
        %dma_wait3A_329 = arith.constant 0 : i32
        %dma_wait3A_330 = arith.constant 0 : i32
        %dma_wait3A_331 = tpu.memref_slice %run_scoped3A_8[%rem3A_201, %dma_wait3A_329, %dma_wait3A_330] : memref<2x128x128xf32, #tpu.memory_space<vmem>> -> memref<1x128x128xf32, #tpu.memory_space<vmem>>
        %dma_wait3A_332 = tpu.memref_squeeze %dma_wait3A_331 : memref<1x128x128xf32, #tpu.memory_space<vmem>> -> memref<128x128xf32, #tpu.memory_space<vmem>>
        %dma_wait3A_333 = arith.constant 96 : i32
        %dma_wait3A_334 = arith.constant 0 : i32
        %dma_wait3A_335 = tpu.memref_slice %dma_wait3A_332[%dma_wait3A_333, %dma_wait3A_334] : memref<128x128xf32, #tpu.memory_space<vmem>> -> memref<26x128xf32, #tpu.memory_space<vmem>>
        %dma_wait3A_336 = arith.constant 0 : i32
        %dma_wait3A_337 = arith.constant 0 : i32
        %dma_wait3A_338 = tpu.memref_slice %run_scoped3A[%rem3A_199, %dma_wait3A_336, %dma_wait3A_337] : memref<2x1x128xi32, #tpu.memory_space<vmem>> -> memref<1x1x128xi32, #tpu.memory_space<vmem>>
        %dma_wait3A_339 = tpu.memref_squeeze %dma_wait3A_338 : memref<1x1x128xi32, #tpu.memory_space<vmem>> -> memref<1x128xi32, #tpu.memory_space<vmem>>
        %dma_wait3A_340 = arith.constant 78 : i32
        %dma_wait3A_341 = tpu.memref_slice %dma_wait3A_339[%dma_wait3A_328, %dma_wait3A_340] : memref<1x128xi32, #tpu.memory_space<vmem>> -> memref<1x26xi32, #tpu.memory_space<vmem>>
        %dma_wait3A_342 = tpu.memref_squeeze %dma_wait3A_341 : memref<1x26xi32, #tpu.memory_space<vmem>> -> memref<26xi32, #tpu.memory_space<vmem>>
        %dma_wait3A_343 = arith.constant 0 : i32
        %dma_wait3A_344 = arith.constant 0 : i32
        %dma_wait3A_345 = tpu.memref_slice %arg2[%dma_wait3A_343, %dma_wait3A_344] : memref<2600000x128xf32, #tpu.memory_space<hbm>> -> memref<2600000x128xf32, #tpu.memory_space<hbm>>
        tpu.wait_indirect_dma semaphore(%arg5 : memref<!tpu.dma_semaphore, #tpu.memory_space<semaphore_mem>>) src(%dma_wait3A_345 : memref<2600000x128xf32, #tpu.memory_space<hbm>>) dst(%dma_wait3A_335 : memref<26x128xf32, #tpu.memory_space<vmem>>)
        "tpu.trace_stop"() : () -> ()
        %ne3A_346 = arith.cmpi ne, %add3A_131, %add3A_149 : i32
        %or3A_347 = arith.constant false
        %or3A_348 = arith.ori %or3A_347, %ne3A_346 : i1
        %or3A_349 = arith.constant false
        %or3A_350 = arith.ori %or3A_348, %or3A_349 : i1
        %or3A_351 = arith.ori %or3A_350, %eq3A_130 : i1
        %convert_element_type3A_352 = arith.extui %or3A_351 : i1 to i32
        %cond3A_353 = arith.constant 0 : i32
        %cond3A_354 = arith.cmpi ne, %convert_element_type3A_352, %cond3A_353 : i32
        scf.if %cond3A_354 {
        } else {
        }
        %and3A_355 = arith.constant false
        %and3A_356 = arith.andi %or3A_351, %and3A_355 : i1
        %ne3A_357 = arith.cmpi ne, %add3A_131, %add3A_149 : i32
        %or3A_358 = arith.constant false
        %or3A_359 = arith.ori %or3A_358, %ne3A_357 : i1
        %or3A_360 = arith.constant false
        %or3A_361 = arith.ori %or3A_359, %or3A_360 : i1
        %or3A_362 = arith.ori %or3A_361, %eq3A_130 : i1
        %convert_element_type3A_363 = arith.extui %or3A_362 : i1 to i32
        %cond3A_364 = arith.constant 0 : i32
        %cond3A_365 = arith.cmpi ne, %convert_element_type3A_363, %cond3A_364 : i32
        scf.if %cond3A_365 {
          "tpu.trace_start"() <{level = 10 : i32, message = "ep_copy_out"}> : () -> ()
          %rem3A_417 = arith.constant 2 : i32
          %rem3A_418 = arith.remui %scan3A_124, %rem3A_417 : i32
          %mul3A_419 = arith.constant 128 : i32
          %mul3A_420 = arith.muli %mul3A_419, %add3A_131 : i32
          %dma_start3A_421 = arith.constant 0 : i32
          %dma_start3A_422 = arith.constant 0 : i32
          %dma_start3A_423 = tpu.memref_slice %run_scoped3A_8[%rem3A_418, %dma_start3A_421, %dma_start3A_422] : memref<2x128x128xf32, #tpu.memory_space<vmem>> -> memref<1x128x128xf32, #tpu.memory_space<vmem>>
          %dma_start3A_424 = tpu.memref_squeeze %dma_start3A_423 : memref<1x128x128xf32, #tpu.memory_space<vmem>> -> memref<128x128xf32, #tpu.memory_space<vmem>>
          %dma_start3A_425 = arith.constant 0 : i32
          %dma_start3A_426 = tpu.memref_slice %arg4[%mul3A_420, %dma_start3A_425] : memref<65536x128xf32, #tpu.memory_space<hbm>> -> memref<128x128xf32, #tpu.memory_space<hbm>>
          %dma_start3A_427 = tpu.memref_slice %run_scoped3A_9[%rem3A_418] : memref<2x!tpu.dma_semaphore, #tpu.memory_space<semaphore_mem>> -> memref<1x!tpu.dma_semaphore, #tpu.memory_space<semaphore_mem>>
          %dma_start3A_428 = tpu.memref_squeeze %dma_start3A_427 : memref<1x!tpu.dma_semaphore, #tpu.memory_space<semaphore_mem>> -> memref<!tpu.dma_semaphore, #tpu.memory_space<semaphore_mem>>
          %dma_start3A_429 = arith.constant 0 : i32
          %dma_start3A_430 = tpu.memref_slice %arg4[%mul3A_420, %dma_start3A_429] : memref<65536x128xf32, #tpu.memory_space<hbm>> -> memref<128x128xf32, #tpu.memory_space<hbm>>
          %dma_start3A_431 = arith.constant 0 : i32
          %dma_start3A_432 = arith.constant 0 : i32
          %dma_start3A_433 = tpu.memref_slice %run_scoped3A_8[%rem3A_418, %dma_start3A_431, %dma_start3A_432] : memref<2x128x128xf32, #tpu.memory_space<vmem>> -> memref<1x128x128xf32, #tpu.memory_space<vmem>>
          %dma_start3A_434 = tpu.memref_squeeze %dma_start3A_433 : memref<1x128x128xf32, #tpu.memory_space<vmem>> -> memref<128x128xf32, #tpu.memory_space<vmem>>
          tpu.enqueue_dma source(%dma_start3A_434 : memref<128x128xf32, #tpu.memory_space<vmem>>) target(%dma_start3A_430 : memref<128x128xf32, #tpu.memory_space<hbm>>) target_semaphore(%dma_start3A_428 : memref<!tpu.dma_semaphore, #tpu.memory_space<semaphore_mem>>)
          "tpu.trace_stop"() : () -> ()
        } else {
        }
        %and3A_366 = arith.constant true
        %and3A_367 = arith.andi %or3A_362, %and3A_366 : i1
        %add3A_368 = arith.constant 1 : i32
        %add3A_369 = arith.addi %scan3A_124, %add3A_368 : i32
        %select_n3A_370 = arith.select %and3A_367, %add3A_369, %scan3A_124 : i32
        %ne3A_371 = arith.cmpi ne, %add3A_131, %add3A_140 : i32
        %or3A_372 = arith.constant false
        %or3A_373 = arith.ori %or3A_372, %ne3A_371 : i1
        %or3A_374 = arith.constant false
        %or3A_375 = arith.ori %or3A_373, %or3A_374 : i1
        %not3A_376 = arith.constant true
        %not3A_377 = arith.xori %eq3A_128, %not3A_376 : i1
        %and3A_378 = arith.andi %or3A_375, %not3A_377 : i1
        %convert_element_type3A_379 = arith.extui %and3A_378 : i1 to i32
        %cond3A_380 = arith.constant 0 : i32
        %cond3A_381 = arith.cmpi ne, %convert_element_type3A_379, %cond3A_380 : i32
        scf.if %cond3A_381 {
        } else {
        }
        %and3A_382 = arith.constant false
        %and3A_383 = arith.andi %and3A_378, %and3A_382 : i1
        %ne3A_384 = arith.cmpi ne, %add3A_131, %add3A_140 : i32
        %or3A_385 = arith.constant false
        %or3A_386 = arith.ori %or3A_385, %ne3A_384 : i1
        %or3A_387 = arith.constant false
        %or3A_388 = arith.ori %or3A_386, %or3A_387 : i1
        %not3A_389 = arith.constant true
        %not3A_390 = arith.xori %eq3A_128, %not3A_389 : i1
        %and3A_391 = arith.andi %or3A_388, %not3A_390 : i1
        %convert_element_type3A_392 = arith.extui %and3A_391 : i1 to i32
        %cond3A_393 = arith.constant 0 : i32
        %cond3A_394 = arith.cmpi ne, %convert_element_type3A_392, %cond3A_393 : i32
        scf.if %cond3A_394 {
          "tpu.trace_start"() <{level = 10 : i32, message = "ep_wait_out"}> : () -> ()
          %rem3A_417 = arith.constant 2 : i32
          %rem3A_418 = arith.remui %scan3A_125, %rem3A_417 : i32
          %mul3A_419 = arith.constant 128 : i32
          %mul3A_420 = arith.muli %mul3A_419, %add3A_140 : i32
          %dma_wait3A_421 = arith.constant 0 : i32
          %dma_wait3A_422 = arith.constant 0 : i32
          %dma_wait3A_423 = tpu.memref_slice %run_scoped3A_8[%rem3A_418, %dma_wait3A_421, %dma_wait3A_422] : memref<2x128x128xf32, #tpu.memory_space<vmem>> -> memref<1x128x128xf32, #tpu.memory_space<vmem>>
          %dma_wait3A_424 = tpu.memref_squeeze %dma_wait3A_423 : memref<1x128x128xf32, #tpu.memory_space<vmem>> -> memref<128x128xf32, #tpu.memory_space<vmem>>
          %dma_wait3A_425 = arith.constant 0 : i32
          %dma_wait3A_426 = tpu.memref_slice %arg4[%mul3A_420, %dma_wait3A_425] : memref<65536x128xf32, #tpu.memory_space<hbm>> -> memref<128x128xf32, #tpu.memory_space<hbm>>
          %dma_wait3A_427 = tpu.memref_slice %run_scoped3A_9[%rem3A_418] : memref<2x!tpu.dma_semaphore, #tpu.memory_space<semaphore_mem>> -> memref<1x!tpu.dma_semaphore, #tpu.memory_space<semaphore_mem>>
          %dma_wait3A_428 = tpu.memref_squeeze %dma_wait3A_427 : memref<1x!tpu.dma_semaphore, #tpu.memory_space<semaphore_mem>> -> memref<!tpu.dma_semaphore, #tpu.memory_space<semaphore_mem>>
          %dma_wait3A_429 = arith.constant 0 : i32
          %dma_wait3A_430 = tpu.memref_slice %arg4[%mul3A_420, %dma_wait3A_429] : memref<65536x128xf32, #tpu.memory_space<hbm>> -> memref<128x128xf32, #tpu.memory_space<hbm>>
          %dma_wait3A_431 = arith.constant 0 : i32
          %dma_wait3A_432 = arith.constant 0 : i32
          %dma_wait3A_433 = tpu.memref_slice %run_scoped3A_8[%rem3A_418, %dma_wait3A_431, %dma_wait3A_432] : memref<2x128x128xf32, #tpu.memory_space<vmem>> -> memref<1x128x128xf32, #tpu.memory_space<vmem>>
          %dma_wait3A_434 = tpu.memref_squeeze %dma_wait3A_433 : memref<1x128x128xf32, #tpu.memory_space<vmem>> -> memref<128x128xf32, #tpu.memory_space<vmem>>
          tpu.wait_dma2 semaphore(%dma_wait3A_428 : memref<!tpu.dma_semaphore, #tpu.memory_space<semaphore_mem>>) src(%dma_wait3A_434 : memref<128x128xf32, #tpu.memory_space<vmem>>) dst(%dma_wait3A_430 : memref<128x128xf32, #tpu.memory_space<hbm>>)
          "tpu.trace_stop"() : () -> ()
        } else {
        }
        %and3A_395 = arith.constant true
        %and3A_396 = arith.andi %and3A_391, %and3A_395 : i1
        %add3A_397 = arith.constant 1 : i32
        %add3A_398 = arith.addi %scan3A_125, %add3A_397 : i32
        %select_n3A_399 = arith.select %and3A_396, %add3A_398, %scan3A_125 : i32
        %ne3A_400 = arith.cmpi ne, %add3A_131, %add3A_149 : i32
        %or3A_401 = arith.constant false
        %or3A_402 = arith.ori %or3A_401, %ne3A_400 : i1
        %or3A_403 = arith.constant false
        %or3A_404 = arith.ori %or3A_402, %or3A_403 : i1
        %or3A_405 = arith.ori %or3A_404, %eq3A_130 : i1
        %add3A_406 = arith.constant 1 : i32
        %add3A_407 = arith.addi %scan3A_123, %add3A_406 : i32
        %select_n3A_408 = arith.select %or3A_405, %add3A_407, %scan3A_123 : i32
        %add3A_409 = arith.constant 1 : i32
        %add3A_410 = arith.addi %scan3A_126, %add3A_409 : i32
        %select_n3A_411 = arith.constant true
        %select_n3A_412 = arith.select %select_n3A_411, %add3A_410, %scan3A_126 : i32
        %eq3A_413 = arith.constant 16 : i32
        %eq3A_414 = arith.cmpi eq, %select_n3A_412, %eq3A_413 : i32
        %select_n3A_415 = arith.constant 0 : i32
        %select_n3A_416 = arith.select %eq3A_414, %select_n3A_415, %select_n3A_412 : i32
        scf.yield %select_n3A_169, %select_n3A_408, %select_n3A_370, %select_n3A_399, %select_n3A_416 : i32, i32, i32, i32, i32
      }
      %scan3A_68 = arith.constant 16 : i32
      %sub3A = arith.constant 1 : i32
      %sub3A_69 = arith.subi %scan3A_67#4, %sub3A : i32
      %select_n3A_70 = arith.constant true
      %select_n3A_71 = arith.select %select_n3A_70, %sub3A_69, %scan3A_67#4 : i32
      %eq3A_72 = arith.constant -1 : i32
      %eq3A_73 = arith.cmpi eq, %select_n3A_71, %eq3A_72 : i32
      %select_n3A_74 = arith.constant 15 : i32
      %select_n3A_75 = arith.select %eq3A_73, %select_n3A_74, %select_n3A_71 : i32
      %add3A_76 = arith.addi %select_n3A_75, %mul3A_6 : i32
      %sub3A_77 = arith.constant 1 : i32
      %sub3A_78 = arith.subi %select_n3A_75, %sub3A_77 : i32
      %select_n3A_79 = arith.constant true
      %select_n3A_80 = arith.select %select_n3A_79, %sub3A_78, %select_n3A_75 : i32
      %eq3A_81 = arith.constant -1 : i32
      %eq3A_82 = arith.cmpi eq, %select_n3A_80, %eq3A_81 : i32
      %select_n3A_83 = arith.constant 15 : i32
      %select_n3A_84 = arith.select %eq3A_82, %select_n3A_83, %select_n3A_80 : i32
      %add3A_85 = arith.addi %select_n3A_84, %mul3A_6 : i32
      %add3A_86 = arith.constant 1 : i32
      %add3A_87 = arith.addi %select_n3A_75, %add3A_86 : i32
      %select_n3A_88 = arith.constant true
      %select_n3A_89 = arith.select %select_n3A_88, %add3A_87, %select_n3A_75 : i32
      %eq3A_90 = arith.constant 16 : i32
      %eq3A_91 = arith.cmpi eq, %select_n3A_89, %eq3A_90 : i32
      %select_n3A_92 = arith.constant 0 : i32
      %select_n3A_93 = arith.select %eq3A_91, %select_n3A_92, %select_n3A_89 : i32
      %add3A_94 = arith.addi %select_n3A_93, %mul3A_6 : i32
      %add3A_95 = arith.constant 1 : i32
      %add3A_96 = arith.addi %select_n3A_93, %add3A_95 : i32
      %select_n3A_97 = arith.constant true
      %select_n3A_98 = arith.select %select_n3A_97, %add3A_96, %select_n3A_93 : i32
      %eq3A_99 = arith.constant 16 : i32
      %eq3A_100 = arith.cmpi eq, %select_n3A_98, %eq3A_99 : i32
      %select_n3A_101 = arith.constant 0 : i32
      %select_n3A_102 = arith.select %eq3A_100, %select_n3A_101, %select_n3A_98 : i32
      %add3A_103 = arith.addi %select_n3A_102, %mul3A_6 : i32
      "tpu.trace_start"() <{level = 10 : i32, message = "ep_finalize"}> : () -> ()
      %rem3A_104 = arith.constant 2 : i32
      %rem3A_105 = arith.remui %scan3A_67#3, %rem3A_104 : i32
      %mul3A_106 = arith.constant 128 : i32
      %mul3A_107 = arith.muli %mul3A_106, %add3A_76 : i32
      %dma_wait3A = arith.constant 0 : i32
      %dma_wait3A_108 = arith.constant 0 : i32
      %dma_wait3A_109 = tpu.memref_slice %run_scoped3A_8[%rem3A_105, %dma_wait3A, %dma_wait3A_108] : memref<2x128x128xf32, #tpu.memory_space<vmem>> -> memref<1x128x128xf32, #tpu.memory_space<vmem>>
      %dma_wait3A_110 = tpu.memref_squeeze %dma_wait3A_109 : memref<1x128x128xf32, #tpu.memory_space<vmem>> -> memref<128x128xf32, #tpu.memory_space<vmem>>
      %dma_wait3A_111 = arith.constant 0 : i32
      %dma_wait3A_112 = tpu.memref_slice %arg4[%mul3A_107, %dma_wait3A_111] : memref<65536x128xf32, #tpu.memory_space<hbm>> -> memref<128x128xf32, #tpu.memory_space<hbm>>
      %dma_wait3A_113 = tpu.memref_slice %run_scoped3A_9[%rem3A_105] : memref<2x!tpu.dma_semaphore, #tpu.memory_space<semaphore_mem>> -> memref<1x!tpu.dma_semaphore, #tpu.memory_space<semaphore_mem>>
      %dma_wait3A_114 = tpu.memref_squeeze %dma_wait3A_113 : memref<1x!tpu.dma_semaphore, #tpu.memory_space<semaphore_mem>> -> memref<!tpu.dma_semaphore, #tpu.memory_space<semaphore_mem>>
      %dma_wait3A_115 = arith.constant 0 : i32
      %dma_wait3A_116 = tpu.memref_slice %arg4[%mul3A_107, %dma_wait3A_115] : memref<65536x128xf32, #tpu.memory_space<hbm>> -> memref<128x128xf32, #tpu.memory_space<hbm>>
      %dma_wait3A_117 = arith.constant 0 : i32
      %dma_wait3A_118 = arith.constant 0 : i32
      %dma_wait3A_119 = tpu.memref_slice %run_scoped3A_8[%rem3A_105, %dma_wait3A_117, %dma_wait3A_118] : memref<2x128x128xf32, #tpu.memory_space<vmem>> -> memref<1x128x128xf32, #tpu.memory_space<vmem>>
      %dma_wait3A_120 = tpu.memref_squeeze %dma_wait3A_119 : memref<1x128x128xf32, #tpu.memory_space<vmem>> -> memref<128x128xf32, #tpu.memory_space<vmem>>
      tpu.wait_dma2 semaphore(%dma_wait3A_114 : memref<!tpu.dma_semaphore, #tpu.memory_space<semaphore_mem>>) src(%dma_wait3A_120 : memref<128x128xf32, #tpu.memory_space<vmem>>) dst(%dma_wait3A_116 : memref<128x128xf32, #tpu.memory_space<hbm>>)
      "tpu.trace_stop"() : () -> ()
      tpu.yield
    }) : () -> ()
    return
  }
}

module attributes {stable_mosaic.version = 14 : i64} {
  func.func @_dense_body(%arg0: i32, %arg1: memref<512x13xf32, #tpu.memory_space<vmem>>, %arg2: memref<16384x128xf32, #tpu.memory_space<vmem>>, %arg3: memref<13x512xbf16, #tpu.memory_space<vmem>>, %arg4: memref<1x512xf32, #tpu.memory_space<vmem>>, %arg5: memref<512x256xbf16, #tpu.memory_space<vmem>>, %arg6: memref<1x256xf32, #tpu.memory_space<vmem>>, %arg7: memref<256x128xbf16, #tpu.memory_space<vmem>>, %arg8: memref<1x128xf32, #tpu.memory_space<vmem>>, %arg9: memref<128x1024xbf16, #tpu.memory_space<vmem>>, %arg10: memref<1024x1024xbf16, #tpu.memory_space<vmem>>, %arg11: memref<1x1024xf32, #tpu.memory_space<vmem>>, %arg12: memref<1024x1024xbf16, #tpu.memory_space<vmem>>, %arg13: memref<1x1024xf32, #tpu.memory_space<vmem>>, %arg14: memref<1024x512xbf16, #tpu.memory_space<vmem>>, %arg15: memref<1x512xf32, #tpu.memory_space<vmem>>, %arg16: memref<512x256xbf16, #tpu.memory_space<vmem>>, %arg17: memref<1x256xf32, #tpu.memory_space<vmem>>, %arg18: memref<256x1xbf16, #tpu.memory_space<vmem>>, %arg19: memref<1x1xf32, #tpu.memory_space<vmem>>, %arg20: memref<512x1xf32, #tpu.memory_space<vmem>>) attributes {dimension_semantics = [#tpu.dimension_semantics<arbitrary>], iteration_bounds = array<i64: 4>, scalar_prefetch = 0 : i64, scratch_operands = 0 : i64, tpu.core_type = #tpu.core_type<tc>, window_params = [{transform_indices = @transform_0, window_bounds = array<i64: 512, 13>}, {transform_indices = @transform_1, window_bounds = array<i64: 16384, 128>}, {pipeline_mode = #tpu.pipeline_mode<synchronous>, transform_indices = @transform_2, window_bounds = array<i64: 13, 512>}, {pipeline_mode = #tpu.pipeline_mode<synchronous>, transform_indices = @transform_3, window_bounds = array<i64: 1, 512>}, {pipeline_mode = #tpu.pipeline_mode<synchronous>, transform_indices = @transform_4, window_bounds = array<i64: 512, 256>}, {pipeline_mode = #tpu.pipeline_mode<synchronous>, transform_indices = @transform_5, window_bounds = array<i64: 1, 256>}, {pipeline_mode = #tpu.pipeline_mode<synchronous>, transform_indices = @transform_6, window_bounds = array<i64: 256, 128>}, {pipeline_mode = #tpu.pipeline_mode<synchronous>, transform_indices = @transform_7, window_bounds = array<i64: 1, 128>}, {pipeline_mode = #tpu.pipeline_mode<synchronous>, transform_indices = @transform_8, window_bounds = array<i64: 128, 1024>}, {pipeline_mode = #tpu.pipeline_mode<synchronous>, transform_indices = @transform_9, window_bounds = array<i64: 1024, 1024>}, {pipeline_mode = #tpu.pipeline_mode<synchronous>, transform_indices = @transform_10, window_bounds = array<i64: 1, 1024>}, {pipeline_mode = #tpu.pipeline_mode<synchronous>, transform_indices = @transform_11, window_bounds = array<i64: 1024, 1024>}, {pipeline_mode = #tpu.pipeline_mode<synchronous>, transform_indices = @transform_12, window_bounds = array<i64: 1, 1024>}, {pipeline_mode = #tpu.pipeline_mode<synchronous>, transform_indices = @transform_13, window_bounds = array<i64: 1024, 512>}, {pipeline_mode = #tpu.pipeline_mode<synchronous>, transform_indices = @transform_14, window_bounds = array<i64: 1, 512>}, {pipeline_mode = #tpu.pipeline_mode<synchronous>, transform_indices = @transform_15, window_bounds = array<i64: 512, 256>}, {pipeline_mode = #tpu.pipeline_mode<synchronous>, transform_indices = @transform_16, window_bounds = array<i64: 1, 256>}, {pipeline_mode = #tpu.pipeline_mode<synchronous>, transform_indices = @transform_17, window_bounds = array<i64: 256, 1>}, {pipeline_mode = #tpu.pipeline_mode<synchronous>, transform_indices = @transform_18, window_bounds = array<i64: 1, 1>}, {transform_indices = @transform_19, window_bounds = array<i64: 512, 1>}]} {
    %get3A = arith.constant 0 : index
    %get3A_0 = arith.constant 0 : index
    %get3A_1 = vector.load %arg1[%get3A, %get3A_0] : memref<512x13xf32, #tpu.memory_space<vmem>>, vector<512x13xf32>
    %convert_element_type3A = arith.truncf %get3A_1 : vector<512x13xf32> to vector<512x13xbf16>
    %get3A_2 = arith.constant 0 : index
    %get3A_3 = arith.constant 0 : index
    %get3A_4 = vector.load %arg3[%get3A_2, %get3A_3] : memref<13x512xbf16, #tpu.memory_space<vmem>>, vector<13x512xbf16>
    %dot_general3A = arith.constant dense<0.000000e+00> : vector<512x512xf32>
    %dot_general3A_5 = tpu.matmul %convert_element_type3A, %get3A_4, %dot_general3A {dimension_numbers = #tpu.dot_dimension_numbers<[1], [0], [0], [1], [0, 0, 1, 1], [], []>, transpose_lhs_hint = false} : vector<512x13xbf16>, vector<13x512xbf16>, vector<512x512xf32> -> vector<512x512xf32>
    %get3A_6 = arith.constant 0 : index
    %get3A_7 = arith.constant 0 : index
    %get3A_8 = vector.load %arg4[%get3A_6, %get3A_7] : memref<1x512xf32, #tpu.memory_space<vmem>>, vector<1x512xf32>
    %add3A = vector.broadcast %get3A_8 : vector<1x512xf32> to vector<512x512xf32>
    %add3A_9 = arith.addf %dot_general3A_5, %add3A : vector<512x512xf32>
    %max3A = arith.constant 0.000000e+00 : f32
    %max3A_10 = vector.broadcast %max3A : f32 to vector<512x512xf32>
    %max3A_11 = arith.maximumf %add3A_9, %max3A_10 : vector<512x512xf32>
    %convert_element_type3A_12 = arith.truncf %max3A_11 : vector<512x512xf32> to vector<512x512xbf16>
    %get3A_13 = arith.constant 0 : index
    %get3A_14 = arith.constant 0 : index
    %get3A_15 = vector.load %arg5[%get3A_13, %get3A_14] : memref<512x256xbf16, #tpu.memory_space<vmem>>, vector<512x256xbf16>
    %dot_general3A_16 = arith.constant dense<0.000000e+00> : vector<512x256xf32>
    %dot_general3A_17 = tpu.matmul %convert_element_type3A_12, %get3A_15, %dot_general3A_16 {dimension_numbers = #tpu.dot_dimension_numbers<[1], [0], [0], [1], [0, 0, 1, 1], [], []>, transpose_lhs_hint = false} : vector<512x512xbf16>, vector<512x256xbf16>, vector<512x256xf32> -> vector<512x256xf32>
    %get3A_18 = arith.constant 0 : index
    %get3A_19 = arith.constant 0 : index
    %get3A_20 = vector.load %arg6[%get3A_18, %get3A_19] : memref<1x256xf32, #tpu.memory_space<vmem>>, vector<1x256xf32>
    %add3A_21 = vector.broadcast %get3A_20 : vector<1x256xf32> to vector<512x256xf32>
    %add3A_22 = arith.addf %dot_general3A_17, %add3A_21 : vector<512x256xf32>
    %max3A_23 = arith.constant 0.000000e+00 : f32
    %max3A_24 = vector.broadcast %max3A_23 : f32 to vector<512x256xf32>
    %max3A_25 = arith.maximumf %add3A_22, %max3A_24 : vector<512x256xf32>
    %convert_element_type3A_26 = arith.truncf %max3A_25 : vector<512x256xf32> to vector<512x256xbf16>
    %get3A_27 = arith.constant 0 : index
    %get3A_28 = arith.constant 0 : index
    %get3A_29 = vector.load %arg7[%get3A_27, %get3A_28] : memref<256x128xbf16, #tpu.memory_space<vmem>>, vector<256x128xbf16>
    %dot_general3A_30 = arith.constant dense<0.000000e+00> : vector<512x128xf32>
    %dot_general3A_31 = tpu.matmul %convert_element_type3A_26, %get3A_29, %dot_general3A_30 {dimension_numbers = #tpu.dot_dimension_numbers<[1], [0], [0], [1], [0, 0, 1, 1], [], []>, transpose_lhs_hint = false} : vector<512x256xbf16>, vector<256x128xbf16>, vector<512x128xf32> -> vector<512x128xf32>
    %get3A_32 = arith.constant 0 : index
    %get3A_33 = arith.constant 0 : index
    %get3A_34 = vector.load %arg8[%get3A_32, %get3A_33] : memref<1x128xf32, #tpu.memory_space<vmem>>, vector<1x128xf32>
    %add3A_35 = vector.broadcast %get3A_34 : vector<1x128xf32> to vector<512x128xf32>
    %add3A_36 = arith.addf %dot_general3A_31, %add3A_35 : vector<512x128xf32>
    %max3A_37 = arith.constant 0.000000e+00 : f32
    %max3A_38 = vector.broadcast %max3A_37 : f32 to vector<512x128xf32>
    %max3A_39 = arith.maximumf %add3A_36, %max3A_38 : vector<512x128xf32>
    %convert_element_type3A_40 = arith.truncf %max3A_39 : vector<512x128xf32> to vector<512x128xbf16>
    %get3A_41 = arith.constant 0 : index
    %get3A_42 = arith.constant 0 : index
    %get3A_43 = vector.load %arg2[%get3A_41, %get3A_42] : memref<16384x128xf32, #tpu.memory_space<vmem>>, vector<16384x128xf32>
    %convert_element_type3A_44 = arith.truncf %get3A_43 : vector<16384x128xf32> to vector<16384x128xbf16>
    %reshape3A = vector.shape_cast %convert_element_type3A_44 : vector<16384x128xbf16> to vector<512x32x128xbf16>
    %iota3A = tpu.iota {dimensions = array<i32: 1>} : vector<1x32x1xi32>
    %eq3A = arith.constant 26 : i32
    %eq3A_45 = vector.broadcast %eq3A : i32 to vector<1x32x1xi32>
    %eq3A_46 = arith.cmpi eq, %iota3A, %eq3A_45 : vector<1x32x1xi32>
    %reshape3A_47 = vector.shape_cast %convert_element_type3A_40 : vector<512x128xbf16> to vector<512x1x128xbf16>
    %lt3A = arith.constant 26 : i32
    %lt3A_48 = vector.broadcast %lt3A : i32 to vector<1x32x1xi32>
    %lt3A_49 = arith.cmpi slt, %iota3A, %lt3A_48 : vector<1x32x1xi32>
    %jit3A = arith.constant 0.000000e+00 : bf16
    %broadcast_in_dim3A = vector.shape_cast %lt3A_49 : vector<1x32x1xi1> to vector<1x32x1xi1>
    %broadcast_in_dim3A_50 = vector.broadcast %broadcast_in_dim3A : vector<1x32x1xi1> to vector<512x32x128xi1>
    %broadcast_in_dim3A_51 = vector.broadcast %jit3A : bf16 to vector<512x32x128xbf16>
    %select_n3A = arith.select %broadcast_in_dim3A_50, %reshape3A, %broadcast_in_dim3A_51 : vector<512x32x128xi1>, vector<512x32x128xbf16>
    %broadcast_in_dim3A_52 = vector.shape_cast %eq3A_46 : vector<1x32x1xi1> to vector<1x32x1xi1>
    %broadcast_in_dim3A_53 = vector.broadcast %broadcast_in_dim3A_52 : vector<1x32x1xi1> to vector<512x32x128xi1>
    %broadcast_in_dim3A_54 = vector.shape_cast %reshape3A_47 : vector<512x1x128xbf16> to vector<512x1x128xbf16>
    %broadcast_in_dim3A_55 = vector.broadcast %broadcast_in_dim3A_54 : vector<512x1x128xbf16> to vector<512x32x128xbf16>
    %select_n3A_56 = arith.select %broadcast_in_dim3A_53, %broadcast_in_dim3A_55, %select_n3A : vector<512x32x128xi1>, vector<512x32x128xbf16>
    %dot_general3A_57 = arith.constant dense<0.000000e+00> : vector<512x32x32xf32>
    %dot_general3A_58 = tpu.matmul %select_n3A_56, %select_n3A_56, %dot_general3A_57 {dimension_numbers = #tpu.dot_dimension_numbers<[2], [2], [1], [1], [0, 0, 0, 1, 1, 1], [0], [0]>, transpose_lhs_hint = false} : vector<512x32x128xbf16>, vector<512x32x128xbf16>, vector<512x32x32xf32> -> vector<512x32x32xf32>
    %convert_element_type3A_59 = arith.truncf %dot_general3A_58 : vector<512x32x32xf32> to vector<512x32x32xbf16>
    %reshape3A_60 = vector.shape_cast %convert_element_type3A_59 : vector<512x32x32xbf16> to vector<512x1024xbf16>
    %get3A_61 = arith.constant 0 : index
    %get3A_62 = arith.constant 0 : index
    %get3A_63 = vector.load %arg9[%get3A_61, %get3A_62] : memref<128x1024xbf16, #tpu.memory_space<vmem>>, vector<128x1024xbf16>
    %dot_general3A_64 = arith.constant dense<0.000000e+00> : vector<512x1024xf32>
    %dot_general3A_65 = tpu.matmul %convert_element_type3A_40, %get3A_63, %dot_general3A_64 {dimension_numbers = #tpu.dot_dimension_numbers<[1], [0], [0], [1], [0, 0, 1, 1], [], []>, transpose_lhs_hint = false} : vector<512x128xbf16>, vector<128x1024xbf16>, vector<512x1024xf32> -> vector<512x1024xf32>
    %get3A_66 = arith.constant 0 : index
    %get3A_67 = arith.constant 0 : index
    %get3A_68 = vector.load %arg10[%get3A_66, %get3A_67] : memref<1024x1024xbf16, #tpu.memory_space<vmem>>, vector<1024x1024xbf16>
    %dot_general3A_69 = arith.constant dense<0.000000e+00> : vector<512x1024xf32>
    %dot_general3A_70 = tpu.matmul %reshape3A_60, %get3A_68, %dot_general3A_69 {dimension_numbers = #tpu.dot_dimension_numbers<[1], [0], [0], [1], [0, 0, 1, 1], [], []>, transpose_lhs_hint = false} : vector<512x1024xbf16>, vector<1024x1024xbf16>, vector<512x1024xf32> -> vector<512x1024xf32>
    %add3A_71 = arith.addf %dot_general3A_65, %dot_general3A_70 : vector<512x1024xf32>
    %get3A_72 = arith.constant 0 : index
    %get3A_73 = arith.constant 0 : index
    %get3A_74 = vector.load %arg11[%get3A_72, %get3A_73] : memref<1x1024xf32, #tpu.memory_space<vmem>>, vector<1x1024xf32>
    %add3A_75 = vector.broadcast %get3A_74 : vector<1x1024xf32> to vector<512x1024xf32>
    %add3A_76 = arith.addf %add3A_71, %add3A_75 : vector<512x1024xf32>
    %max3A_77 = arith.constant 0.000000e+00 : f32
    %max3A_78 = vector.broadcast %max3A_77 : f32 to vector<512x1024xf32>
    %max3A_79 = arith.maximumf %add3A_76, %max3A_78 : vector<512x1024xf32>
    %convert_element_type3A_80 = arith.truncf %max3A_79 : vector<512x1024xf32> to vector<512x1024xbf16>
    %get3A_81 = arith.constant 0 : index
    %get3A_82 = arith.constant 0 : index
    %get3A_83 = vector.load %arg12[%get3A_81, %get3A_82] : memref<1024x1024xbf16, #tpu.memory_space<vmem>>, vector<1024x1024xbf16>
    %dot_general3A_84 = arith.constant dense<0.000000e+00> : vector<512x1024xf32>
    %dot_general3A_85 = tpu.matmul %convert_element_type3A_80, %get3A_83, %dot_general3A_84 {dimension_numbers = #tpu.dot_dimension_numbers<[1], [0], [0], [1], [0, 0, 1, 1], [], []>, transpose_lhs_hint = false} : vector<512x1024xbf16>, vector<1024x1024xbf16>, vector<512x1024xf32> -> vector<512x1024xf32>
    %get3A_86 = arith.constant 0 : index
    %get3A_87 = arith.constant 0 : index
    %get3A_88 = vector.load %arg13[%get3A_86, %get3A_87] : memref<1x1024xf32, #tpu.memory_space<vmem>>, vector<1x1024xf32>
    %add3A_89 = vector.broadcast %get3A_88 : vector<1x1024xf32> to vector<512x1024xf32>
    %add3A_90 = arith.addf %dot_general3A_85, %add3A_89 : vector<512x1024xf32>
    %max3A_91 = arith.constant 0.000000e+00 : f32
    %max3A_92 = vector.broadcast %max3A_91 : f32 to vector<512x1024xf32>
    %max3A_93 = arith.maximumf %add3A_90, %max3A_92 : vector<512x1024xf32>
    %convert_element_type3A_94 = arith.truncf %max3A_93 : vector<512x1024xf32> to vector<512x1024xbf16>
    %get3A_95 = arith.constant 0 : index
    %get3A_96 = arith.constant 0 : index
    %get3A_97 = vector.load %arg14[%get3A_95, %get3A_96] : memref<1024x512xbf16, #tpu.memory_space<vmem>>, vector<1024x512xbf16>
    %dot_general3A_98 = arith.constant dense<0.000000e+00> : vector<512x512xf32>
    %dot_general3A_99 = tpu.matmul %convert_element_type3A_94, %get3A_97, %dot_general3A_98 {dimension_numbers = #tpu.dot_dimension_numbers<[1], [0], [0], [1], [0, 0, 1, 1], [], []>, transpose_lhs_hint = false} : vector<512x1024xbf16>, vector<1024x512xbf16>, vector<512x512xf32> -> vector<512x512xf32>
    %get3A_100 = arith.constant 0 : index
    %get3A_101 = arith.constant 0 : index
    %get3A_102 = vector.load %arg15[%get3A_100, %get3A_101] : memref<1x512xf32, #tpu.memory_space<vmem>>, vector<1x512xf32>
    %add3A_103 = vector.broadcast %get3A_102 : vector<1x512xf32> to vector<512x512xf32>
    %add3A_104 = arith.addf %dot_general3A_99, %add3A_103 : vector<512x512xf32>
    %max3A_105 = arith.constant 0.000000e+00 : f32
    %max3A_106 = vector.broadcast %max3A_105 : f32 to vector<512x512xf32>
    %max3A_107 = arith.maximumf %add3A_104, %max3A_106 : vector<512x512xf32>
    %convert_element_type3A_108 = arith.truncf %max3A_107 : vector<512x512xf32> to vector<512x512xbf16>
    %get3A_109 = arith.constant 0 : index
    %get3A_110 = arith.constant 0 : index
    %get3A_111 = vector.load %arg16[%get3A_109, %get3A_110] : memref<512x256xbf16, #tpu.memory_space<vmem>>, vector<512x256xbf16>
    %dot_general3A_112 = arith.constant dense<0.000000e+00> : vector<512x256xf32>
    %dot_general3A_113 = tpu.matmul %convert_element_type3A_108, %get3A_111, %dot_general3A_112 {dimension_numbers = #tpu.dot_dimension_numbers<[1], [0], [0], [1], [0, 0, 1, 1], [], []>, transpose_lhs_hint = false} : vector<512x512xbf16>, vector<512x256xbf16>, vector<512x256xf32> -> vector<512x256xf32>
    %get3A_114 = arith.constant 0 : index
    %get3A_115 = arith.constant 0 : index
    %get3A_116 = vector.load %arg17[%get3A_114, %get3A_115] : memref<1x256xf32, #tpu.memory_space<vmem>>, vector<1x256xf32>
    %add3A_117 = vector.broadcast %get3A_116 : vector<1x256xf32> to vector<512x256xf32>
    %add3A_118 = arith.addf %dot_general3A_113, %add3A_117 : vector<512x256xf32>
    %max3A_119 = arith.constant 0.000000e+00 : f32
    %max3A_120 = vector.broadcast %max3A_119 : f32 to vector<512x256xf32>
    %max3A_121 = arith.maximumf %add3A_118, %max3A_120 : vector<512x256xf32>
    %convert_element_type3A_122 = arith.truncf %max3A_121 : vector<512x256xf32> to vector<512x256xbf16>
    %get3A_123 = arith.constant 0 : index
    %get3A_124 = arith.constant 0 : index
    %get3A_125 = vector.load %arg18[%get3A_123, %get3A_124] : memref<256x1xbf16, #tpu.memory_space<vmem>>, vector<256x1xbf16>
    %dot_general3A_126 = arith.constant dense<0.000000e+00> : vector<512x1xf32>
    %dot_general3A_127 = tpu.matmul %convert_element_type3A_122, %get3A_125, %dot_general3A_126 {dimension_numbers = #tpu.dot_dimension_numbers<[1], [0], [0], [1], [0, 0, 1, 1], [], []>, transpose_lhs_hint = false} : vector<512x256xbf16>, vector<256x1xbf16>, vector<512x1xf32> -> vector<512x1xf32>
    %get3A_128 = arith.constant 0 : index
    %get3A_129 = arith.constant 0 : index
    %get3A_130 = vector.load %arg19[%get3A_128, %get3A_129] : memref<1x1xf32, #tpu.memory_space<vmem>>, vector<1x1xf32>
    %add3A_131 = vector.broadcast %get3A_130 : vector<1x1xf32> to vector<512x1xf32>
    %add3A_132 = arith.addf %dot_general3A_127, %add3A_131 : vector<512x1xf32>
    %swap3A = arith.constant 0 : index
    %swap3A_133 = arith.constant 0 : index
    %swap3A_134 = vector.load %arg20[%swap3A, %swap3A_133] : memref<512x1xf32, #tpu.memory_space<vmem>>, vector<512x1xf32>
    tpu.vector_store %arg20[%swap3A, %swap3A_133], %add3A_132 {strides = array<i32>} : memref<512x1xf32, #tpu.memory_space<vmem>>, vector<512x1xf32>,
    return
  }
  func.func @transform_0(%arg0: i32) -> (i32, i32) {
    %c0_i32 = arith.constant 0 : i32
    %c0_i32_0 = arith.constant 0 : i32
    return %arg0, %c0_i32 : i32, i32
  }
  func.func @transform_1(%arg0: i32) -> (i32, i32) {
    %c0_i32 = arith.constant 0 : i32
    %c0_i32_0 = arith.constant 0 : i32
    return %arg0, %c0_i32 : i32, i32
  }
  func.func @transform_2(%arg0: i32) -> (i32, i32) {
    %c0_i32 = arith.constant 0 : i32
    %c0_i32_0 = arith.constant 0 : i32
    %c0_i32_1 = arith.constant 0 : i32
    return %c0_i32, %c0_i32_0 : i32, i32
  }
  func.func @transform_3(%arg0: i32) -> (i32, i32) {
    %c0_i32 = arith.constant 0 : i32
    %c0_i32_0 = arith.constant 0 : i32
    %c0_i32_1 = arith.constant 0 : i32
    return %c0_i32, %c0_i32_0 : i32, i32
  }
  func.func @transform_4(%arg0: i32) -> (i32, i32) {
    %c0_i32 = arith.constant 0 : i32
    %c0_i32_0 = arith.constant 0 : i32
    %c0_i32_1 = arith.constant 0 : i32
    return %c0_i32, %c0_i32_0 : i32, i32
  }
  func.func @transform_5(%arg0: i32) -> (i32, i32) {
    %c0_i32 = arith.constant 0 : i32
    %c0_i32_0 = arith.constant 0 : i32
    %c0_i32_1 = arith.constant 0 : i32
    return %c0_i32, %c0_i32_0 : i32, i32
  }
  func.func @transform_6(%arg0: i32) -> (i32, i32) {
    %c0_i32 = arith.constant 0 : i32
    %c0_i32_0 = arith.constant 0 : i32
    %c0_i32_1 = arith.constant 0 : i32
    return %c0_i32, %c0_i32_0 : i32, i32
  }
  func.func @transform_7(%arg0: i32) -> (i32, i32) {
    %c0_i32 = arith.constant 0 : i32
    %c0_i32_0 = arith.constant 0 : i32
    %c0_i32_1 = arith.constant 0 : i32
    return %c0_i32, %c0_i32_0 : i32, i32
  }
  func.func @transform_8(%arg0: i32) -> (i32, i32) {
    %c0_i32 = arith.constant 0 : i32
    %c0_i32_0 = arith.constant 0 : i32
    %c0_i32_1 = arith.constant 0 : i32
    return %c0_i32, %c0_i32_0 : i32, i32
  }
  func.func @transform_9(%arg0: i32) -> (i32, i32) {
    %c0_i32 = arith.constant 0 : i32
    %c0_i32_0 = arith.constant 0 : i32
    %c0_i32_1 = arith.constant 0 : i32
    return %c0_i32, %c0_i32_0 : i32, i32
  }
  func.func @transform_10(%arg0: i32) -> (i32, i32) {
    %c0_i32 = arith.constant 0 : i32
    %c0_i32_0 = arith.constant 0 : i32
    %c0_i32_1 = arith.constant 0 : i32
    return %c0_i32, %c0_i32_0 : i32, i32
  }
  func.func @transform_11(%arg0: i32) -> (i32, i32) {
    %c0_i32 = arith.constant 0 : i32
    %c0_i32_0 = arith.constant 0 : i32
    %c0_i32_1 = arith.constant 0 : i32
    return %c0_i32, %c0_i32_0 : i32, i32
  }
  func.func @transform_12(%arg0: i32) -> (i32, i32) {
    %c0_i32 = arith.constant 0 : i32
    %c0_i32_0 = arith.constant 0 : i32
    %c0_i32_1 = arith.constant 0 : i32
    return %c0_i32, %c0_i32_0 : i32, i32
  }
  func.func @transform_13(%arg0: i32) -> (i32, i32) {
    %c0_i32 = arith.constant 0 : i32
    %c0_i32_0 = arith.constant 0 : i32
    %c0_i32_1 = arith.constant 0 : i32
    return %c0_i32, %c0_i32_0 : i32, i32
  }
  func.func @transform_14(%arg0: i32) -> (i32, i32) {
    %c0_i32 = arith.constant 0 : i32
    %c0_i32_0 = arith.constant 0 : i32
    %c0_i32_1 = arith.constant 0 : i32
    return %c0_i32, %c0_i32_0 : i32, i32
  }
  func.func @transform_15(%arg0: i32) -> (i32, i32) {
    %c0_i32 = arith.constant 0 : i32
    %c0_i32_0 = arith.constant 0 : i32
    %c0_i32_1 = arith.constant 0 : i32
    return %c0_i32, %c0_i32_0 : i32, i32
  }
  func.func @transform_16(%arg0: i32) -> (i32, i32) {
    %c0_i32 = arith.constant 0 : i32
    %c0_i32_0 = arith.constant 0 : i32
    %c0_i32_1 = arith.constant 0 : i32
    return %c0_i32, %c0_i32_0 : i32, i32
  }
  func.func @transform_17(%arg0: i32) -> (i32, i32) {
    %c0_i32 = arith.constant 0 : i32
    %c0_i32_0 = arith.constant 0 : i32
    %c0_i32_1 = arith.constant 0 : i32
    return %c0_i32, %c0_i32_0 : i32, i32
  }
  func.func @transform_18(%arg0: i32) -> (i32, i32) {
    %c0_i32 = arith.constant 0 : i32
    %c0_i32_0 = arith.constant 0 : i32
    %c0_i32_1 = arith.constant 0 : i32
    return %c0_i32, %c0_i32_0 : i32, i32
  }
  func.func @transform_19(%arg0: i32) -> (i32, i32) {
    %c0_i32 = arith.constant 0 : i32
    %c0_i32_0 = arith.constant 0 : i32
    return %arg0, %c0_i32 : i32, i32
  }
}

</mosaic_0001>

<sc_bundles>
// kernel: kernel.6.cloned.1.call-start
scs
__scs_entry_jumppad:
0x0: {  	(pc) =	sbr.rel $0x88, $3  }
0x1: {  	(tag) =	ssettag $0x0;
	lr =	simm.s32 $0x1  }
0x2: {  	[smem:$0x3F8E] =	sst lr;
	_ =	strace $0xD0000000  }
0x3: {  	_ = 	snop  }
0x4: {  	_ = 	snop  }
0x5: {  	_ = 	snop  }
0x6: {  	_ = 	snop  }
0x7: {  	_ = 	snop  }
__scs_overlays_trampoline_lowered:
0x8: {  	[smem:$0x3F9D] =	sst s0  }
0x9: {  	[smem:$0x3F9E] =	sst s1  }
0xa: {  	[smem:$0x3F9F] =	sst s2  }
0xb: {  	[smem:$0x3FA0] =	sst s3  }
0xc: {  	[smem:$0x3FA1] =	sst s4  }
0xd: {  	[smem:$0x3FA2] =	sst s5  }
0xe: {  	[smem:$0x3FA3] =	sst s6  }
0xf: {  	[smem:$0x3FA4] =	sst s7  }
0x10: {  	[smem:$0x3FA5] =	sst s8  }
0x11: {  	[smem:$0x3FA6] =	sst s9;
	s0 =	simm.s32 @!p0 $0x0  }
0x12: {  	s1 =	sld [smem:$0x3F8C];
	s0 =	simm.s32 @p0 $0x1  }
0x13: {  	[smem:$0x3FA7] =	sst s0;
	s0 =	simm.s32 @!p1 $0x0  }
0x14: {  	s2 =	sld [smem:$0x3F8B];
	s0 =	simm.s32 @p1 $0x1  }
0x15: {  	[smem:$0x3FA8] =	sst s0;
	s0 =	simm.s32 @!p2 $0x0  }
0x16: {  	s3 =	sld [smem:$0x3FDB];
	s0 =	simm.s32 @p2 $0x1  }
0x17: {  	s4 =	simm.s32 $0x1BF5;
	[smem:$0x3FAA] =	sst s0  }
0x18: {  	s0 =	sld [smem:$0x3F8D];
	_ =	swait.ge [sflag:s4], $0x0  }
0x19: {  	s7 =	sld [smem:$0x3F8E]  }
0x1a: {  	s8 =	sadd.s32 $0xFFFFE003, lr  }
0x1b: {  	s9 =	sadd.s32 $0xFFFFFEF7, lr;
	s5 =	simm.s32 $0xFFFFFFFF;
	p2 =	slt.u32 s8, $0xFFFFF086  }
0x1c: {  	p1 =	slt.u32 s9, $0xF7A;
	s5 =	simm.s32 @!p2 $0x0  }
0x1d: {  	s5 =	simm.s32 @p1 $0x1;
	p0 =	seq.s32 s7, s2  }
0x1e: {  	s7 =	smul.u32 @!p0 $0xF7A, s2;
	p2 =	seq.s32 @!p0 s5, $0x0  }
0x1f: {  	s9 =	smul.u32 $0xF7A, s1;
	s8 =	simm.s32 @!p0 $0x1BF5;
	p2 =	por !p2, p0  }
0x20: {  	[sflag:s8] =	ssyncset.s32 @!p0 $0xFFFFF086;
	s6 =	sadd.s32 @!p0 s3, s7;
	s7 =	simm.s32 @!p0 $0x108  }
0x21: {  	s3 =	sadd.s32 s3, s9;
	s6 =	sadd.s32 @!p0 $0x88, s6;
	s7 =	simm.s32 @p2 $0x1082  }
0x22: {  	[simem:s7], [sflag:s8] =	dma.local @!p0 [hbm:s6], $0xF7A  }
0x23: {  	s9 =	sor.u32 $0xD0000000, s2;
	s6 =	simm.s32 $0x108;
	_ =	swait.ge @!p0 [sflag:s8], $0x0  }
0x24: {  	s3 =	sadd.s32 $0x88, s3;
	s6 =	simm.s32 @!p1 $0x1082;
	[sflag:s4] =	ssyncset.s32 $0xFFFFF086  }
0x25: {  	[simem:s6], [sflag:s4] =	dma.local [hbm:s3], $0xF7A  }
0x26: {  	[smem:$0x3F8E] =	sst s1;
	(tag) =	ssettag s2;
	_ =	strace s9  }
0x27: {  	s1 =	sld [smem:$0x3F9E]  }
0x28: {  	s2 =	sld [smem:$0x3F9F]  }
0x29: {  	s4 =	sld [smem:$0x3FA1]  }
0x2a: {  	p0 =	seq.s32 s5, $0x0;
	s5 =	sld [smem:$0x3FA2]  }
0x2b: {  	s6 =	sld [smem:$0x3FA3]  }
0x2c: {  	s7 =	sld [smem:$0x3FA4]  }
0x2d: {  	s3 =	simm.s32 $0x108;
	s8 =	sld [smem:$0x3FA5]  }
0x2e: {  	s3 =	simm.s32 @!p0 $0x1082;
	s9 =	sld [smem:$0x3FA6]  }
0x2f: {  	lr =	sadd.s32 s0, s3;
	s0 =	sld [smem:$0x3F9D]  }
0x30: {  	s3 =	sld [smem:$0x3FA0]  }
0x31: {  	[smem:$0x3FA9] =	sst s10  }
0x32: {  	s10 =	sld [smem:$0x3FA7];
	_ =	sdelay $0x3  }
0x33: {  	p0 =	seq.s32 s10, $0x1;
	s10 =	sld [smem:$0x3FA9];
	_ =	sdelay $0x3  }
0x34: {  	[smem:$0x3FA9] =	sst s10  }
0x35: {  	s10 =	sld [smem:$0x3FA8];
	_ =	sdelay $0x3  }
0x36: {  	p1 =	seq.s32 s10, $0x1;
	s10 =	sld [smem:$0x3FA9];
	_ =	sdelay $0x3  }
0x37: {  	[smem:$0x3FA9] =	sst s10  }
0x38: {  	s10 =	sld [smem:$0x3FAA]  }
0x39: {  	_ = 	snop;
	(pc) =	sbr.ind lr, $3  }
0x3a: {  	_ = 	snop  }
0x3b: {  	_ = 	snop  }
0x3c: {  	p2 =	seq.s32 s10, $0x1;
	s10 =	sld [smem:$0x3FA9]  }
0x3d: {  	_ =	shalt  }
0x3e: {  	_ =	shalt  }
0x3f: {  	_ =	shalt  }
0x40: {  	_ =	shalt  }
0x41: {  	_ =	shalt  }
0x42: {  	_ =	shalt  }
0x43: {  	_ =	shalt  }
0x44: {  	_ =	shalt  }
0x45: {  	_ =	shalt  }
0x46: {  	_ =	shalt  }
0x47: {  	_ =	shalt  }
0x48: {  	_ =	shalt  }
0x49: {  	_ =	shalt  }
0x4a: {  	_ =	shalt  }
0x4b: {  	_ =	shalt  }
0x4c: {  	_ =	shalt  }
0x4d: {  	_ =	shalt  }
0x4e: {  	_ =	shalt  }
0x4f: {  	_ =	shalt  }
0x50: {  	_ =	shalt  }
0x51: {  	_ =	shalt  }
0x52: {  	_ =	shalt  }
0x53: {  	_ =	shalt  }
0x54: {  	_ =	shalt  }
0x55: {  	_ =	shalt  }
0x56: {  	_ =	shalt  }
0x57: {  	_ =	shalt  }
0x58: {  	_ =	shalt  }
0x59: {  	_ =	shalt  }
0x5a: {  	_ =	shalt  }
0x5b: {  	_ =	shalt  }
0x5c: {  	_ =	shalt  }
0x5d: {  	_ =	shalt  }
0x5e: {  	_ =	shalt  }
0x5f: {  	_ =	shalt  }
0x60: {  	_ =	shalt  }
0x61: {  	_ =	shalt  }
0x62: {  	_ =	shalt  }
0x63: {  	_ =	shalt  }
0x64: {  	_ =	shalt  }
0x65: {  	_ =	shalt  }
0x66: {  	_ =	shalt  }
0x67: {  	_ =	shalt  }
0x68: {  	_ =	shalt  }
0x69: {  	_ =	shalt  }
0x6a: {  	_ =	shalt  }
0x6b: {  	_ =	shalt  }
0x6c: {  	_ =	shalt  }
0x6d: {  	_ =	shalt  }
0x6e: {  	_ =	shalt  }
0x6f: {  	_ =	shalt  }
0x70: {  	_ =	shalt  }
0x71: {  	_ =	shalt  }
0x72: {  	_ =	shalt  }
0x73: {  	_ =	shalt  }
0x74: {  	_ =	shalt  }
0x75: {  	_ =	shalt  }
0x76: {  	_ =	shalt  }
0x77: {  	_ =	shalt  }
0x78: {  	_ =	shalt  }
0x79: {  	_ =	shalt  }
0x7a: {  	_ =	shalt  }
0x7b: {  	_ =	shalt  }
0x7c: {  	_ =	shalt  }
0x7d: {  	_ =	shalt  }
0x7e: {  	_ =	shalt  }
0x7f: {  	_ =	shalt  }
0x80: {  	_ =	shalt  }
0x81: {  	_ =	shalt  }
0x82: {  	_ =	shalt  }
0x83: {  	_ =	shalt  }
0x84: {  	_ =	shalt  }
0x85: {  	_ =	shalt  }
0x86: {  	_ =	shalt  }
0x87: {  	_ =	shalt  }
.Lfunc_end0:
.L_simem_size_0:
called_computation_lowered:
.L_overlay_start_0:
0x88: {  	s2 =	sld [smem:$0x3FD9]  }
0x89: {  	s3 =	sld [smem:$0x3FFE];
	_ =	sdelay $0x1  }
0x8a: {  	s1 =	srdreg.scid  }
0x8b: {  	s0 =	sand.u32 $0x1, s1  }
0x8c: {  	s17 =	sshll.u32 s0, $0xA;
	s2 =	sadd.s32 s3, s2  }
0x8d: {  	s2 =	sadd.s32 s2, s17  }
0x8e: {  	[smem:$0x3FB5] =	sst s2  }
0x8f: {  	_ = 	snop  }
0x90: {  	s18 =	sld [smem:$0x3FC7];
	(tm) =	ssettm $0x1  }
0x91: {  	s19 =	sld [smem:$0x3FFB];
	_ =	sdelay $0x3  }
0x92: {  	_ =	strace s19  }
0x93: {  	s2 =	sld [smem:$0x3FFC];
	_ =	sdelay $0x3  }
0x94: {  	_ =	strace s2  }
0x95: {  	s2 =	sld [smem:$0x3FFD];
	_ =	sdelay $0x3  }
0x96: {  	_ =	strace s2  }
0x97: {  	_ =	strace $0x8FFFFFFF  }
0x98: {  	s20 =	sld [smem:$0x3FDB];
	_ =	sdelay $0x1  }
0x99: {  	s4 =	simm.s32 $_scs_section_size  }
0x9a: {  	s5 =	simm.s32 $_size__tile_overlayer_lowered;
	s6 =	simm.s32 $_tile_overlayer_lowered  }
0x9b: {  	s7 =	simm.s32 $0x1BFF;
	s21 =	sshll.u32 s6, $0x1;
	s4 =	sadd.s32 s4, s20  }
0x9c: {  	s22 =	simm.s32 $0x0;
	s5 =	sshll.u32 s5, $0x1;
	s6 =	sadd.s32 s21, s4  }
0x9d: {  	[timem:s22], [sflag:s7] =	dma.local [hbm:s6], s5  }
0x9e: {  	_ =	swait.ge [sflag:s7], s5  }
0x9f: {  	s5 =	ssub.s32 $0x0, s5;
	[sflag:s7] =	ssyncset.done $0x0  }
0xa0: {  	[sflag:s7] =	ssyncadd.s32 s5;
	_ =	sdelay $0x1  }
0xa1: {  	s23 =	simm.s32 $0x1B8B  }
0xa2: {  	_ =	swait.ge [sflag:s23], $0x1  }
0xa3: {  	[sflag:s23] =	ssyncset.done $0x0  }
0xa4: {  	[sflag:s23] =	ssyncadd.s32 $0xFFFFFFFF  }
0xa5: {  	s5 =	sld [smem:$0x0]  }
0xa6: {  	s6 =	sand.u32 $0xFFFFFFFE, s1  }
0xa7: {  	p0 =	sne.s32 s1, s6  }
0xa8: {  	s6 =	sshll.u32 @p0 s6, $0xE  }
0xa9: {  	s6 =	sadd.s32 @p0 $0x11B8D, s6;
	s7 =	sshll.u32 @p0 s5, $0x11  }
0xaa: {  	s6 =	sor.u32 @p0 s7, s6  }
0xab: {  	[sflag:s6] =	ssyncadd.remote.s32 @p0 $0x1;
	_ =	sdelay $0x1  }
0xac: {  	s6 =	simm.s32 @p0 $0x1B8D  }
0xad: {  	_ =	swait.eq @p0 [sflag:s6], $0x1  }
0xae: {  	[sflag:s6] =	ssyncadd.s32 @p0 $0xFFFFFFFF  }
0xaf: {  	s7 =	sshll.u32 @!p0 s1, $0xE  }
0xb0: {  	s7 =	sor.u32 @!p0 $0x4000, s7;
	s6 =	simm.s32 @!p0 $0x1B8D  }
0xb1: {  	s5 =	sshll.u32 @!p0 s5, $0x11;
	s7 =	sadd.s32 @!p0 $0x11B8D, s7;
	_ =	swait.eq @!p0 [sflag:s6], $0x1  }
0xb2: {  	s5 =	sor.u32 @!p0 s5, s7;
	[sflag:s6] =	ssyncadd.s32 @!p0 $0xFFFFFFFF  }
0xb3: {  	s25 =	simm.s32 $0x1B8E;
	s24 =	sld [smem:$0x3FFE];
	[sflag:s5] =	ssyncadd.remote.s32 @!p0 $0x1  }
0xb4: {  	s26 =	simm.s32 $execute0_lowered;
	[smem:$0x3FD2] =	sst s25  }
0xb5: {  	s6 =	sshll.u32 s26, $0x1;
	_ =	strace $0x80000050;
	[dreg:$0x1] =	wrdreg $0xFFFFFFFF  }
0xb6: {  	s28 =	simm.s32 $_size_execute0_lowered;
	s4 =	sadd.s32 s4, s6;
	[dreg:$0x0] =	wrdreg $0x0  }
0xb7: {  	s6 =	sshll.u32 s28, $0x1;
	[dreg:$0x2] =	wrdreg s4  }
0xb8: {  	[dreg:$0x3] =	wrdreg s6  }
0xb9: {  	[dreg:$0x4] =	wrdreg $0xC0  }
0xba: {  	_ =	task [dreg:s22], $0x5FFFF  }
0xbb: {  	[dreg:$0x1] =	wrdreg $0xFFFFFFFF  }
0xbc: {  	[dreg:$0x0] =	wrdreg $0x60  }
0xbd: {  	[dreg:$0x2] =	wrdreg s18  }
0xbe: {  	[dreg:$0x3] =	wrdreg s24  }
0xbf: {  	[dreg:$0x4] =	wrdreg $0x9  }
0xc0: {  	_ =	task.clear_ibuf [dreg:s22], $0x5FFFF;
	_ =	strace $0x90000050  }
0xc1: {  	s29 =	simm.s32 $0x9;
	_ =	strace $0x80000059  }
0xc2: {  	_ =	swait.ge [sflag:s29], $0x1  }
0xc3: {  	[sflag:s29] =	ssyncadd.s32 $0xFFFFFFFF  }
0xc4: {  	_ =	strace $0x90000059  }
0xc5: {  	_ =	sfence  }
0xc6: {  	s30 =	sld [smem:$0x0];
	_ =	sdelay $0x2  }
0xc7: {  	s31 =	sshll.u32 s1, $0xD;
	s1 =	sshrl.u32 s1, $0x2  }
0xc8: {  	s4 =	sand.u32 $0x4000, s31;
	s1 =	sadd.s32 s1, s30  }
0xc9: {  	s0 =	sor.u32 s4, s0;
	s1 =	sshll.u32 s1, $0x11  }
0xca: {  	s0 =	sor.u32 s1, s0  }
0xcb: {  	s0 =	sadd.s32 $0x8F2B, s0  }
0xcc: {  	[sflag:s0] =	ssyncadd.remote.s32 $0x1  }
0xcd: {  	_ =	sfence.sel $0xFFFF  }
0xce: {  	[dreg:$0x0] =	wrdreg $0xFFFFFFFF;
	(pc) =	sbr.abs _section_cstart, $3  }
0xcf: {  	[dreg:$0x1] =	wrdreg $0xFFFFFFFF  }
0xd0: {  	_ =	task.clear_ibuf [dreg:s22], $0x2FFFF;
	_ =	strace $0x9FFFFFFF  }
0xd1: {  	(tm) =	ssettm $0x7FFFFFFF  }
tec
execute0_lowered:
.L_overlay_start_1:
0x0: {  	(tag) =	ssettag $0x1  }
0x1: {  	s1 =	rddreg [dreg:$0x0]  }
0x2: {  	s5 =	rddreg [dreg:$0x1];
	s2 =	simm.s32 $0x0  }
0x3: {  	s6 =	srdreg.scid;
	s3 =	stileid.u32;
	s11 =	simm.s32 $0x0  }
0x4: {  	[smem:$0x7FF] =	sst s2;
	s4 =	sadd.s32 $0x3800, s5;
	s6 =	sand.u32 $0x1, s6  }
0x5: {  	s8 =	sshll.u32 s3, $0x4;
	s9 =	sadd.s32 $0x109800, s5;
	_ =	strace $0x80000051  }
0x6: {  	s7 =	ssub.s32 $0x2, s6;
	s6 =	sshll.u32 s6, $0x8;
	[dreg:$0x3] =	wrdreg s9  }
0x7: {  	s9 =	simm.s32 $0x1A;
	s10 =	sshrl.u32 s7, $0x1;
	s5 =	sor.u32 s8, s6  }
0x8: {  	s8 =	simm.s32 $0x1;
	s7 =	ssub.s32 s7, s10;
	s6 =	sshll.u32 s5, $0x4  }
0x9: {  	s10 =	simm.s32 $0x5;
	s6 =	sadd.s32 s4, s6;
	s7 =	smax.u32 s7, $0x1  }
.LBB2_1:
0xa: {  	_ =	strace $0x80000052;
	s12 =	simm.s32 $0x1;
	p0 =	por $0x0, $0x0  }
0xb: {  	[tilespmem:s2], [sflag:$0x2] =	stream.linear.gather [hbm4b:s6+s2], $0x80, $0x200038;
	[tilespmem:$0x8100] =	vst v63  }
0xc: {  	s12 =	simm.s32 @p0 $0x0  }
0xd: {  	p1 =	por $0x1, $0x1;
	p0 =	sne.s32 s12, $0x0  }
0xe: {  	p1 =	por !p1, !p0  }
0xf: {  	p1 =	por !p1, !p1  }
0x10: {  	s13 =	sadd.s32 @p1 s5, s12  }
0x11: {  	s14 =	sshll.u32 @p1 s12, $0x7;
	s13 =	sshll.u32 @p1 s13, $0x7  }
0x12: {  	s14 =	sand.u32 @p1 $0x380, s14;
	s13 =	sand.u32 @p1 $0xFFFFFC00, s13  }
0x13: {  	_ =	strace $0x90000052;
	s15 =	simm.s32 @p1 $0x0;
	s13 =	sor.u32 @p1 s14, s13  }
0x14: {  	_ =	strace @p1 $0x80000053;
	s14 =	sand.u32 @p1 $0x1, s8;
	s13 =	sshrl.u32 @p1 s13, $0x3  }
0x15: {  	s16 =	sshll.u32 @p1 s14, $0x7;
	s14 =	sor.u32 @p1 $0x2, s14;
	s13 =	sadd.s32 @p1 s4, s13  }
0x16: {  	[tilespmem:s16], [sflag:s14] =	stream.linear.gather @p1 [hbm4b:s13+s15], $0x80, $0x200038;
	[tilespmem:$0x8100] =	vst v63  }
0x17: {  	s17 =	sand.u32 $0x1, s2;
	_ =	strace @p1 $0x90000053  }
0x18: {  	s22 =	sor.u32 $0x2, s17;
	_ =	strace $0x80000054  }
0x19: {  	s23 =	simm.s32 $0x0;
	p3 =	por $0x1, $0x1;
	_ =	swait.ge [sflag:s22], $0x80  }
0x1a: {  	p2 =	por $0x0, $0x0;
	p4 =	por $0x0, $0x0;
	[sflag:s22] =	ssyncset.done $0x0  }
0x1b: {  	p6 =	por $0x1, $0x1;
	s28 =	simm.s32 $0x1;
	[sflag:s22] =	ssyncadd.s32 $0xFFFFFF80  }
0x1c: {  	s21 =	simm.s32 $0x0;
	s24 =	sshll.u32 s17, $0xE;
	_ =	strace $0x90000054  }
0x1d: {  	s20 =	sor.u32 $0x100, s24;
	s13 =	sand.u32 $0x80, s23;
	_ =	strace $0x80000055  }
0x1e: {  	[tilespmem:s20], [sflag:$0x1] =	stream.indirect.gather [hbm4b:s1+s9], $0x80, s13, s9, $0x2000b8;
	[tilespmem:$0x8100] =	vst v63  }
0x1f: {  	s25 =	sor.u32 $0x1100, s24;
	s30 =	sor.u32 $0x2100, s24;
	s26 =	sor.u32 $0x1A, s13  }
0x20: {  	[tilespmem:s25], [sflag:$0x1] =	stream.indirect.gather [hbm4b:s1+s9], $0x80, s26, s9, $0x2000b8;
	[tilespmem:$0x8100] =	vst v63  }
0x21: {  	s19 =	sadd.s32 $0x1, s12;
	p5 =	por p0, p0;
	s31 =	sor.u32 $0x34, s13  }
0x22: {  	[tilespmem:s30], [sflag:$0x1] =	stream.indirect.gather [hbm4b:s1+s9], $0x80, s31, s9, $0x2000b8;
	[tilespmem:$0x8100] =	vst v63  }
0x23: {  	p0 =	por p3, p3;
	s14 =	sor.u32 $0x3100, s24;
	s13 =	sor.u32 $0x4E, s13  }
0x24: {  	[tilespmem:s14], [sflag:$0x1] =	stream.indirect.gather [hbm4b:s1+s9], $0x80, s13, s9, $0x2000b8;
	[tilespmem:$0x8100] =	vst v63  }
0x25: {  	s15 =	simm.s32 $0xE;
	s14 =	simm.s32 $0x1;
	_ =	swait.ge [sflag:s8], $0xD00  }
0x26: {  	s22 =	simm.s32 $0x1;
	s14 =	simm.s32 @!p1 $0x0;
	[sflag:s8] =	ssyncset.done $0x0  }
0x27: {  	s22 =	simm.s32 @!p4 $0x0;
	s16 =	sadd.s32 $0x1, s14;
	[sflag:s8] =	ssyncadd.s32 $0xFFFFF300  }
0x28: {  	s14 =	sand.u32 @!p3 $0x1, s2;
	p3 =	seq.s32 s19, $0x10;
	_ =	swait.ge [sflag:s8], $0xD00  }
0x29: {  	s25 =	sadd.s32 $0x0, s5;
	s19 =	simm.s32 @p3 $0x0;
	[sflag:s8] =	ssyncset.done $0x0  }
0x2a: {  	s13 =	simm.s32 $0xF;
	p3 =	sne.s32 s12, s19;
	[sflag:s8] =	ssyncadd.s32 $0xFFFFF300  }
0x2b: {  	p1 =	por $0x0, $0x0;
	p6 =	por !p6, !p3;
	_ =	swait.ge [sflag:s8], $0xD00  }
0x2c: {  	s23 =	sor.u32 @!p0 $0x4, s14;
	p4 =	por !p6, !p6;
	[sflag:s8] =	ssyncset.done $0x0  }
0x2d: {  	p6 =	por p1, p5;
	s14 =	sadd.s32 @p4 s5, s19;
	[sflag:s8] =	ssyncadd.s32 $0xFFFFF300  }
0x2e: {  	s18 =	sshll.u32 @p4 s19, $0x7;
	s28 =	simm.s32 @!p6 $0x0;
	_ =	swait.ge [sflag:s8], $0xD00  }
0x2f: {  	s26 =	sand.u32 @p4 $0x1, s16;
	s14 =	sshll.u32 @p4 s14, $0x7;
	[sflag:s8] =	ssyncset.done $0x0  }
0x30: {  	s24 =	sand.u32 @p4 $0x380, s18;
	s18 =	simm.s32 $0x0;
	[sflag:s8] =	ssyncadd.s32 $0xFFFFF300  }
0x31: {  	s29 =	sand.u32 @p4 $0xFFFFFC00, s14;
	s14 =	simm.s32 $0x0;
	_ =	strace $0x90000055  }
.LBB2_2:
0x32: {  	s29 =	sor.u32 @p4 s24, s29;
	_ =	strace @p6 $0x80000056  }
0x33: {  	s30 =	sshll.u32 @p6 s25, $0xB;
	s25 =	smov.u32 s12;
	p1 =	por p3, p3  }
0x34: {  	s17 =	sor.u32 @p6 $0x4, s17;
	s0 =	simm.s32 @!p1 $0x0;
	s12 =	sshrl.u32 @p4 s29, $0x3  }
0x35: {  	s29 =	sand.u32 @p6 $0x1FFFF800, s30;
	s30 =	rddreg [dreg:$0x3];
	s0 =	simm.s32 @p1 $0x1  }
0x36: {  	s29 =	sadd.s32 @p6 s30, s29;
	s30 =	simm.s32 @p6 $0x0;
	[smem:$0x7FD] =	sst s0  }
0x37: {  	[hbm4b:s29+s30] =	stream.linear.scatter @p6 [tilespmem:s20], [sflag:s17], $0x4000, $0x200038;
	[tilespmem:$0x8100] =	vst v63  }
0x38: {  	_ =	strace @p6 $0x90000056  }
0x39: {  	_ =	strace @!p0 $0x80000057  }
0x3a: {  	_ =	swait.ge @!p0 [sflag:s23], $0x4000  }
0x3b: {  	[sflag:s23] =	ssyncset.done @!p0 $0x0  }
0x3c: {  	s21 =	sadd.s32 s28, s21;
	[sflag:s23] =	ssyncadd.s32 @!p0 $0xFFFFC000  }
0x3d: {  	s31 =	sadd.s32 @p4 s4, s12;
	s17 =	simm.s32 @p4 $0x0;
	_ =	strace @!p0 $0x90000057  }
0x3e: {  	s20 =	sshll.u32 @p4 s26, $0x7;
	s26 =	sor.u32 @p4 $0x2, s26;
	_ =	strace @p4 $0x80000053  }
0x3f: {  	[tilespmem:s20], [sflag:s26] =	stream.linear.gather @p4 [hbm4b:s31+s17], $0x80, $0x200038;
	[tilespmem:$0x8100] =	vst v63  }
0x40: {  	s18 =	sadd.s32 s28, s18;
	s28 =	sand.u32 $0x1, s21;
	_ =	strace @p4 $0x90000053  }
0x41: {  	s30 =	sor.u32 $0x2, s28;
	_ =	strace $0x80000054  }
0x42: {  	_ =	swait.ge [sflag:s30], $0x80  }
0x43: {  	[sflag:s30] =	ssyncset.done $0x0  }
0x44: {  	s17 =	sand.u32 $0x1, s18;
	[sflag:s30] =	ssyncadd.s32 $0xFFFFFF80  }
0x45: {  	s0 =	sshll.u32 s21, $0x7;
	s23 =	sshll.u32 s17, $0xE;
	_ =	strace $0x90000054  }
0x46: {  	s0 =	sand.u32 $0x80, s0;
	s20 =	sor.u32 $0x100, s23;
	_ =	strace $0x80000055  }
0x47: {  	[tilespmem:s20], [sflag:$0x1] =	stream.indirect.gather [hbm4b:s1+s9], $0x80, s0, s9, $0x2000b8;
	[tilespmem:$0x8100] =	vst v63  }
0x48: {  	s28 =	sor.u32 $0x1A, s0;
	s31 =	sor.u32 $0x1100, s23  }
0x49: {  	[tilespmem:s31], [sflag:$0x1] =	stream.indirect.gather [hbm4b:s1+s9], $0x80, s28, s9, $0x2000b8;
	[tilespmem:$0x8100] =	vst v63  }
0x4a: {  	s24 =	smov.u32 s13;
	s30 =	sor.u32 $0x2100, s23;
	s28 =	sor.u32 $0x34, s0  }
0x4b: {  	[tilespmem:s30], [sflag:$0x1] =	stream.indirect.gather [hbm4b:s1+s9], $0x80, s28, s9, $0x2000b8;
	[tilespmem:$0x8100] =	vst v63  }
0x4c: {  	s13 =	smov.u32 s15;
	s23 =	sor.u32 $0x3100, s23;
	s0 =	sor.u32 $0x4E, s0  }
0x4d: {  	[tilespmem:s23], [sflag:$0x1] =	stream.indirect.gather [hbm4b:s1+s9], $0x80, s0, s9, $0x2000b8;
	[tilespmem:$0x8100] =	vst v63  }
0x4e: {  	s15 =	sadd.s32 $0xFFFFFFFF, s15;
	s12 =	simm.s32 $0x1;
	_ =	swait.ge [sflag:s8], $0xD00  }
0x4f: {  	s14 =	sadd.s32 s22, s14;
	s12 =	simm.s32 @!p4 $0x0;
	[sflag:s8] =	ssyncset.done $0x0  }
0x50: {  	p5 =	sne.s32 s15, $0x0;
	s16 =	sadd.s32 s12, s16;
	[sflag:s8] =	ssyncadd.s32 $0xFFFFF300  }
0x51: {  	s12 =	smov.u32 s19;
	s19 =	sadd.s32 $0x1, s19;
	_ =	swait.ge [sflag:s8], $0xD00  }
0x52: {  	s22 =	sand.u32 @!p2 $0x1, s14;
	p3 =	seq.s32 s19, $0x10;
	[sflag:s8] =	ssyncset.done $0x0  }
0x53: {  	s25 =	sadd.s32 s5, s25;
	s19 =	simm.s32 @p3 $0x0;
	[sflag:s8] =	ssyncadd.s32 $0xFFFFF300  }
0x54: {  	p1 =	sne.s32 s13, $0x1;
	p3 =	sne.s32 s12, s19;
	_ =	swait.ge [sflag:s8], $0xD00  }
0x55: {  	p6 =	seq.s32 s24, $0x1;
	p1 =	por !p1, !p3;
	[sflag:s8] =	ssyncset.done $0x0  }
0x56: {  	p0 =	por p2, p2;
	p2 =	seq.s32 s13, $0x10;
	[sflag:s8] =	ssyncadd.s32 $0xFFFFF300  }
0x57: {  	p4 =	sne.s32 s24, $0x10;
	s28 =	simm.s32 $0x1;
	_ =	swait.ge [sflag:s8], $0xD00  }
0x58: {  	s23 =	sor.u32 @!p0 $0x4, s22;
	s22 =	simm.s32 $0x1;
	s31 =	sld [smem:$0x7FD]  }
.Ltmp0:
0x59: {  	s22 =	simm.s32 @!p4 $0x0;
	p4 =	por !p1, !p1;
	(pc) =	sbr.rel @p5 .LBB2_2-.Ltmp0, $4  }
0x5a: {  	s0 =	sadd.s32 @p4 s5, s19;
	s24 =	sshll.u32 @p4 s19, $0x7;
	s26 =	sand.u32 @p4 $0x1, s16  }
0x5b: {  	s0 =	sshll.u32 @p4 s0, $0x7;
	[sflag:s8] =	ssyncset.done $0x0;
	p1 =	seq.s32 s31, $0x1  }
0x5c: {  	s24 =	sand.u32 @p4 $0x380, s24;
	[sflag:s8] =	ssyncadd.s32 $0xFFFFF300;
	p6 =	por p6, p1  }
0x5d: {  	s29 =	sand.u32 @p4 $0xFFFFFC00, s0;
	_ =	strace $0x90000055;
	s28 =	simm.s32 @!p6 $0x0  }
0x5e: {  	_ =	strace @p6 $0x80000056;
	s15 =	sshll.u32 @p6 s25, $0xB  }
0x5f: {  	s0 =	rddreg [dreg:$0x3];
	s15 =	sand.u32 @p6 $0x1FFFF800, s15  }
0x60: {  	s16 =	sor.u32 @p6 $0x4, s17;
	s0 =	sadd.s32 @p6 s0, s15;
	s15 =	simm.s32 @p6 $0x0  }
0x61: {  	[hbm4b:s0+s15] =	stream.linear.scatter @p6 [tilespmem:s20], [sflag:s16], $0x4000, $0x200038;
	[tilespmem:$0x8100] =	vst v63  }
0x62: {  	_ =	strace @p6 $0x90000056  }
0x63: {  	_ =	strace @!p0 $0x80000057  }
0x64: {  	_ =	swait.ge @!p0 [sflag:s23], $0x4000  }
0x65: {  	s17 =	sshll.u32 @p4 s26, $0x7;
	[sflag:s23] =	ssyncset.done @!p0 $0x0  }
0x66: {  	s19 =	sor.u32 @p4 $0x2, s26;
	s0 =	sor.u32 @p4 s24, s29;
	[sflag:s23] =	ssyncadd.s32 @!p0 $0xFFFFC000  }
0x67: {  	s24 =	sadd.s32 s28, s21;
	s0 =	sshrl.u32 @p4 s0, $0x3;
	_ =	strace @!p0 $0x90000057  }
0x68: {  	s16 =	simm.s32 @p4 $0x0;
	s0 =	sadd.s32 @p4 s4, s0;
	_ =	strace @p4 $0x80000053  }
0x69: {  	[tilespmem:s17], [sflag:s19] =	stream.linear.gather @p4 [hbm4b:s0+s16], $0x80, $0x200038;
	[tilespmem:$0x8100] =	vst v63  }
0x6a: {  	s25 =	sand.u32 $0x1, s24;
	_ =	strace @p4 $0x90000053  }
0x6b: {  	s0 =	sor.u32 $0x2, s25;
	_ =	strace $0x80000054  }
0x6c: {  	_ =	swait.ge [sflag:s0], $0x80  }
0x6d: {  	s26 =	sadd.s32 s28, s18;
	[sflag:s0] =	ssyncset.done $0x0  }
0x6e: {  	[sflag:s0] =	ssyncadd.s32 $0xFFFFFF80;
	s0 =	sand.u32 $0x1, s26  }
0x6f: {  	s15 =	sshll.u32 s24, $0x7;
	_ =	strace $0x90000054;
	s16 =	sshll.u32 s0, $0xE  }
0x70: {  	s15 =	sand.u32 $0x80, s15;
	_ =	strace $0x80000055;
	s17 =	sor.u32 $0x100, s16  }
0x71: {  	[tilespmem:s17], [sflag:$0x1] =	stream.indirect.gather [hbm4b:s1+s9], $0x80, s15, s9, $0x2000b8;
	[tilespmem:$0x8100] =	vst v63  }
0x72: {  	s29 =	sor.u32 $0x1A, s15;
	s28 =	sor.u32 $0x1100, s16  }
0x73: {  	[tilespmem:s28], [sflag:$0x1] =	stream.indirect.gather [hbm4b:s1+s9], $0x80, s29, s9, $0x2000b8;
	[tilespmem:$0x8100] =	vst v63  }
0x74: {  	s31 =	sor.u32 $0x34, s15;
	s30 =	sor.u32 $0x2100, s16  }
0x75: {  	[tilespmem:s30], [sflag:$0x1] =	stream.indirect.gather [hbm4b:s1+s9], $0x80, s31, s9, $0x2000b8;
	[tilespmem:$0x8100] =	vst v63  }
0x76: {  	s16 =	sor.u32 $0x3100, s16;
	s15 =	sor.u32 $0x4E, s15  }
0x77: {  	[tilespmem:s16], [sflag:$0x1] =	stream.indirect.gather [hbm4b:s1+s9], $0x80, s15, s9, $0x2000b8;
	[tilespmem:$0x8100] =	vst v63  }
0x78: {  	_ =	swait.ge [sflag:s8], $0xD00  }
0x79: {  	[sflag:s8] =	ssyncset.done $0x0  }
0x7a: {  	[sflag:s8] =	ssyncadd.s32 $0xFFFFF300  }
0x7b: {  	_ =	swait.ge [sflag:s8], $0xD00  }
0x7c: {  	[sflag:s8] =	ssyncset.done $0x0  }
0x7d: {  	[sflag:s8] =	ssyncadd.s32 $0xFFFFF300  }
0x7e: {  	_ =	swait.ge [sflag:s8], $0xD00  }
0x7f: {  	[sflag:s8] =	ssyncset.done $0x0  }
0x80: {  	[sflag:s8] =	ssyncadd.s32 $0xFFFFF300  }
0x81: {  	_ =	swait.ge [sflag:s8], $0xD00  }
0x82: {  	[sflag:s8] =	ssyncset.done $0x0  }
0x83: {  	p1 =	seq.s32 s13, $0x1;
	p6 =	por p3, p3;
	[sflag:s8] =	ssyncadd.s32 $0xFFFFF300  }
0x84: {  	s12 =	sadd.s32 s5, s12;
	p0 =	por p1, p6;
	_ =	strace $0x90000055  }
0x85: {  	s12 =	sshll.u32 @p0 s12, $0xB;
	_ =	strace @p0 $0x80000056  }
0x86: {  	s14 =	sadd.s32 s22, s14;
	s12 =	sand.u32 @p0 $0x1FFFF800, s12;
	s13 =	rddreg [dreg:$0x3]  }
0x87: {  	s0 =	sor.u32 @p0 $0x4, s0;
	s12 =	sadd.s32 @p0 s13, s12;
	s13 =	simm.s32 @p0 $0x0  }
0x88: {  	[hbm4b:s12+s13] =	stream.linear.scatter @p0 [tilespmem:s17], [sflag:s0], $0x4000, $0x200038;
	[tilespmem:$0x8100] =	vst v63  }
0x89: {  	p1 =	por p2, p2;
	s0 =	sand.u32 @!p2 $0x1, s14;
	_ =	strace @p0 $0x90000056  }
0x8a: {  	s0 =	sor.u32 @!p1 $0x4, s0;
	_ =	strace @!p1 $0x80000057  }
0x8b: {  	_ =	swait.ge @!p1 [sflag:s0], $0x4000  }
0x8c: {  	[sflag:s0] =	ssyncset.done @!p1 $0x0  }
0x8d: {  	s11 =	sadd.s32 $0x1, s11;
	[sflag:s0] =	ssyncadd.s32 @!p1 $0xFFFFC000  }
0x8e: {  	p0 =	sne.s32 s11, s7;
	_ =	strace @!p1 $0x90000057  }
.Ltmp1:
0x8f: {  	_ =	strace $0x80000058;
	(pc) =	sbr.rel @p0 .LBB2_1-.Ltmp1, $4  }
0x90: {  	_ =	swait.ge [sflag:s10], $0x4000  }
0x91: {  	[sflag:s10] =	ssyncset.done $0x0  }
0x92: {  	[sflag:s10] =	ssyncadd.s32 $0xFFFFC000  }
0x93: {  	_ =	strace $0x90000058  }
0x94: {  	_ =	sfence.sel $0x180000  }
0x95: {  	[bflag:$0x0] =	sbarrier.arrive $0xFFFF  }
0x96: {  	_ =	strace $0x90000051  }
0x97: {  	[bflag:$0x2] =	sbarrier.arrive $0xFFFF  }
0x98: {  	p0 =	sne.s32 s3, $0x0;
	s0 =	rddreg [dreg:$0x2]  }
0x99: {  	s0 =	sadd.s32 @!p0 $0x100000, s0  }
0x9a: {  	[sflag:s0] =	ssyncadd.tile.s32 @!p0 $0x1;
	_ =	shalt  }
.Lfunc_end2:
_tile_overlayer_lowered:
.L_overlay_start_2:
0x9b: {  	(tag) =	ssettag $0x2  }
0x9c: {  	s0 =	rddreg [dreg:$0x0];
	s2 =	stileid.u32  }
0x9d: {  	s1 =	rddreg [dreg:$0x1];
	p0 =	sne.s32 s2, $0x0  }
0x9e: {  	s3 =	rddreg [dreg:$0x2];
	[bflag:$0x3] =	sbarrier.arrive $0xFFFF;
	s2 =	simm.s32 @!p0 $0x1C02  }
0x9f: {  	[timem:s3], [sflag:s2] =	dma.local @!p0 [hbm:s0], s1  }
0xa0: {  	s0 =	simm.s32 @!p0 $0x2  }
0xa1: {  	_ =	swait.ge @!p0 [sflag:s0], s1  }
0xa2: {  	s1 =	ssub.s32 @!p0 $0x0, s1;
	[sflag:s0] =	ssyncset.done @!p0 $0x0  }
0xa3: {  	[sflag:s0] =	ssyncadd.s32 @!p0 s1  }
0xa4: {  	[bflag:$0x3] =	sbarrier.arrive $0xFFFF  }
0xa5: {  	_ =	shalt  }

// kernel: kernel.9.cloned.1.call-start
scs
__scs_entry_jumppad:
0x0: {  	(pc) =	sbr.rel $0x88, $3  }
0x1: {  	(tag) =	ssettag $0x0;
	lr =	simm.s32 $0x1  }
0x2: {  	[smem:$0x3F8E] =	sst lr;
	_ =	strace $0xD0000000  }
0x3: {  	_ = 	snop  }
0x4: {  	_ = 	snop  }
0x5: {  	_ = 	snop  }
0x6: {  	_ = 	snop  }
0x7: {  	_ = 	snop  }
__scs_overlays_trampoline_lowered:
0x8: {  	[smem:$0x3F9D] =	sst s0  }
0x9: {  	[smem:$0x3F9E] =	sst s1  }
0xa: {  	[smem:$0x3F9F] =	sst s2  }
0xb: {  	[smem:$0x3FA0] =	sst s3  }
0xc: {  	[smem:$0x3FA1] =	sst s4  }
0xd: {  	[smem:$0x3FA2] =	sst s5  }
0xe: {  	[smem:$0x3FA3] =	sst s6  }
0xf: {  	[smem:$0x3FA4] =	sst s7  }
0x10: {  	[smem:$0x3FA5] =	sst s8  }
0x11: {  	[smem:$0x3FA6] =	sst s9;
	s0 =	simm.s32 @!p0 $0x0  }
0x12: {  	s1 =	sld [smem:$0x3F8C];
	s0 =	simm.s32 @p0 $0x1  }
0x13: {  	[smem:$0x3FA7] =	sst s0;
	s0 =	simm.s32 @!p1 $0x0  }
0x14: {  	s2 =	sld [smem:$0x3F8B];
	s0 =	simm.s32 @p1 $0x1  }
0x15: {  	[smem:$0x3FA8] =	sst s0;
	s0 =	simm.s32 @!p2 $0x0  }
0x16: {  	s3 =	sld [smem:$0x3FDB];
	s0 =	simm.s32 @p2 $0x1  }
0x17: {  	s4 =	simm.s32 $0x1BF5;
	[smem:$0x3FAA] =	sst s0  }
0x18: {  	s0 =	sld [smem:$0x3F8D];
	_ =	swait.ge [sflag:s4], $0x0  }
0x19: {  	s7 =	sld [smem:$0x3F8E]  }
0x1a: {  	s8 =	sadd.s32 $0xFFFFE003, lr  }
0x1b: {  	s9 =	sadd.s32 $0xFFFFFEF7, lr;
	s5 =	simm.s32 $0xFFFFFFFF;
	p2 =	slt.u32 s8, $0xFFFFF086  }
0x1c: {  	p1 =	slt.u32 s9, $0xF7A;
	s5 =	simm.s32 @!p2 $0x0  }
0x1d: {  	s5 =	simm.s32 @p1 $0x1;
	p0 =	seq.s32 s7, s2  }
0x1e: {  	s7 =	smul.u32 @!p0 $0xF7A, s2;
	p2 =	seq.s32 @!p0 s5, $0x0  }
0x1f: {  	s9 =	smul.u32 $0xF7A, s1;
	s8 =	simm.s32 @!p0 $0x1BF5;
	p2 =	por !p2, p0  }
0x20: {  	[sflag:s8] =	ssyncset.s32 @!p0 $0xFFFFF086;
	s6 =	sadd.s32 @!p0 s3, s7;
	s7 =	simm.s32 @!p0 $0x108  }
0x21: {  	s3 =	sadd.s32 s3, s9;
	s6 =	sadd.s32 @!p0 $0x88, s6;
	s7 =	simm.s32 @p2 $0x1082  }
0x22: {  	[simem:s7], [sflag:s8] =	dma.local @!p0 [hbm:s6], $0xF7A  }
0x23: {  	s9 =	sor.u32 $0xD0000000, s2;
	s6 =	simm.s32 $0x108;
	_ =	swait.ge @!p0 [sflag:s8], $0x0  }
0x24: {  	s3 =	sadd.s32 $0x88, s3;
	s6 =	simm.s32 @!p1 $0x1082;
	[sflag:s4] =	ssyncset.s32 $0xFFFFF086  }
0x25: {  	[simem:s6], [sflag:s4] =	dma.local [hbm:s3], $0xF7A  }
0x26: {  	[smem:$0x3F8E] =	sst s1;
	(tag) =	ssettag s2;
	_ =	strace s9  }
0x27: {  	s1 =	sld [smem:$0x3F9E]  }
0x28: {  	s2 =	sld [smem:$0x3F9F]  }
0x29: {  	s4 =	sld [smem:$0x3FA1]  }
0x2a: {  	p0 =	seq.s32 s5, $0x0;
	s5 =	sld [smem:$0x3FA2]  }
0x2b: {  	s6 =	sld [smem:$0x3FA3]  }
0x2c: {  	s7 =	sld [smem:$0x3FA4]  }
0x2d: {  	s3 =	simm.s32 $0x108;
	s8 =	sld [smem:$0x3FA5]  }
0x2e: {  	s3 =	simm.s32 @!p0 $0x1082;
	s9 =	sld [smem:$0x3FA6]  }
0x2f: {  	lr =	sadd.s32 s0, s3;
	s0 =	sld [smem:$0x3F9D]  }
0x30: {  	s3 =	sld [smem:$0x3FA0]  }
0x31: {  	[smem:$0x3FA9] =	sst s10  }
0x32: {  	s10 =	sld [smem:$0x3FA7];
	_ =	sdelay $0x3  }
0x33: {  	p0 =	seq.s32 s10, $0x1;
	s10 =	sld [smem:$0x3FA9];
	_ =	sdelay $0x3  }
0x34: {  	[smem:$0x3FA9] =	sst s10  }
0x35: {  	s10 =	sld [smem:$0x3FA8];
	_ =	sdelay $0x3  }
0x36: {  	p1 =	seq.s32 s10, $0x1;
	s10 =	sld [smem:$0x3FA9];
	_ =	sdelay $0x3  }
0x37: {  	[smem:$0x3FA9] =	sst s10  }
0x38: {  	s10 =	sld [smem:$0x3FAA]  }
0x39: {  	_ = 	snop;
	(pc) =	sbr.ind lr, $3  }
0x3a: {  	_ = 	snop  }
0x3b: {  	_ = 	snop  }
0x3c: {  	p2 =	seq.s32 s10, $0x1;
	s10 =	sld [smem:$0x3FA9]  }
0x3d: {  	_ =	shalt  }
0x3e: {  	_ =	shalt  }
0x3f: {  	_ =	shalt  }
0x40: {  	_ =	shalt  }
0x41: {  	_ =	shalt  }
0x42: {  	_ =	shalt  }
0x43: {  	_ =	shalt  }
0x44: {  	_ =	shalt  }
0x45: {  	_ =	shalt  }
0x46: {  	_ =	shalt  }
0x47: {  	_ =	shalt  }
0x48: {  	_ =	shalt  }
0x49: {  	_ =	shalt  }
0x4a: {  	_ =	shalt  }
0x4b: {  	_ =	shalt  }
0x4c: {  	_ =	shalt  }
0x4d: {  	_ =	shalt  }
0x4e: {  	_ =	shalt  }
0x4f: {  	_ =	shalt  }
0x50: {  	_ =	shalt  }
0x51: {  	_ =	shalt  }
0x52: {  	_ =	shalt  }
0x53: {  	_ =	shalt  }
0x54: {  	_ =	shalt  }
0x55: {  	_ =	shalt  }
0x56: {  	_ =	shalt  }
0x57: {  	_ =	shalt  }
0x58: {  	_ =	shalt  }
0x59: {  	_ =	shalt  }
0x5a: {  	_ =	shalt  }
0x5b: {  	_ =	shalt  }
0x5c: {  	_ =	shalt  }
0x5d: {  	_ =	shalt  }
0x5e: {  	_ =	shalt  }
0x5f: {  	_ =	shalt  }
0x60: {  	_ =	shalt  }
0x61: {  	_ =	shalt  }
0x62: {  	_ =	shalt  }
0x63: {  	_ =	shalt  }
0x64: {  	_ =	shalt  }
0x65: {  	_ =	shalt  }
0x66: {  	_ =	shalt  }
0x67: {  	_ =	shalt  }
0x68: {  	_ =	shalt  }
0x69: {  	_ =	shalt  }
0x6a: {  	_ =	shalt  }
0x6b: {  	_ =	shalt  }
0x6c: {  	_ =	shalt  }
0x6d: {  	_ =	shalt  }
0x6e: {  	_ =	shalt  }
0x6f: {  	_ =	shalt  }
0x70: {  	_ =	shalt  }
0x71: {  	_ =	shalt  }
0x72: {  	_ =	shalt  }
0x73: {  	_ =	shalt  }
0x74: {  	_ =	shalt  }
0x75: {  	_ =	shalt  }
0x76: {  	_ =	shalt  }
0x77: {  	_ =	shalt  }
0x78: {  	_ =	shalt  }
0x79: {  	_ =	shalt  }
0x7a: {  	_ =	shalt  }
0x7b: {  	_ =	shalt  }
0x7c: {  	_ =	shalt  }
0x7d: {  	_ =	shalt  }
0x7e: {  	_ =	shalt  }
0x7f: {  	_ =	shalt  }
0x80: {  	_ =	shalt  }
0x81: {  	_ =	shalt  }
0x82: {  	_ =	shalt  }
0x83: {  	_ =	shalt  }
0x84: {  	_ =	shalt  }
0x85: {  	_ =	shalt  }
0x86: {  	_ =	shalt  }
0x87: {  	_ =	shalt  }
.Lfunc_end0:
.L_simem_size_0:
called_computation.1_lowered:
.L_overlay_start_0:
0x88: {  	s2 =	sld [smem:$0x3FD9]  }
0x89: {  	s3 =	sld [smem:$0x3FFE];
	_ =	sdelay $0x1  }
0x8a: {  	s1 =	srdreg.scid  }
0x8b: {  	s0 =	sand.u32 $0x1, s1  }
0x8c: {  	s17 =	sshll.u32 s0, $0xA;
	s2 =	sadd.s32 s3, s2  }
0x8d: {  	s2 =	sadd.s32 s2, s17  }
0x8e: {  	[smem:$0x3FB5] =	sst s2  }
0x8f: {  	_ = 	snop  }
0x90: {  	s2 =	sld [smem:$0x3FC7];
	(tm) =	ssettm $0x1  }
0x91: {  	s18 =	sld [smem:$0x3FFB];
	_ =	sdelay $0x3  }
0x92: {  	_ =	strace s18  }
0x93: {  	s3 =	sld [smem:$0x3FFC];
	_ =	sdelay $0x3  }
0x94: {  	_ =	strace s3  }
0x95: {  	s3 =	sld [smem:$0x3FFD];
	_ =	sdelay $0x3  }
0x96: {  	_ =	strace s3  }
0x97: {  	_ =	strace $0x8FFFFFFF  }
0x98: {  	s19 =	sld [smem:$0x3FDB];
	_ =	sdelay $0x1  }
0x99: {  	s4 =	simm.s32 $_scs_section_size  }
0x9a: {  	s5 =	simm.s32 $_size__tile_overlayer_lowered;
	s6 =	simm.s32 $_tile_overlayer_lowered  }
0x9b: {  	s22 =	simm.s32 $0x1BFF;
	s21 =	sshll.u32 s6, $0x1;
	s3 =	sadd.s32 s4, s19  }
0x9c: {  	s7 =	simm.s32 $0x0;
	s20 =	sshll.u32 s5, $0x1;
	s5 =	sadd.s32 s21, s3  }
0x9d: {  	[timem:s7], [sflag:s22] =	dma.local [hbm:s5], s20  }
0x9e: {  	_ =	swait.ge [sflag:s22], s20  }
0x9f: {  	s4 =	ssub.s32 $0x0, s20;
	[sflag:s22] =	ssyncset.done $0x0  }
0xa0: {  	[sflag:s22] =	ssyncadd.s32 s4;
	_ =	sdelay $0x1  }
0xa1: {  	s23 =	simm.s32 $0x1B8B  }
0xa2: {  	_ =	swait.ge [sflag:s23], $0x1  }
0xa3: {  	[sflag:s23] =	ssyncset.done $0x0  }
0xa4: {  	s25 =	simm.s32 $0x1B8E;
	s24 =	sld [smem:$0x3FFE];
	[sflag:s23] =	ssyncadd.s32 $0xFFFFFFFF  }
0xa5: {  	s26 =	simm.s32 $execute0_lowered;
	[smem:$0x3FD2] =	sst s25  }
0xa6: {  	s5 =	sshll.u32 s26, $0x1;
	_ =	strace $0x80000046;
	[dreg:$0x1] =	wrdreg $0xFFFFFFFF  }
0xa7: {  	s28 =	simm.s32 $_size_execute0_lowered;
	s3 =	sadd.s32 s3, s5;
	[dreg:$0x0] =	wrdreg $0x0  }
0xa8: {  	s5 =	sshll.u32 s28, $0x1;
	[dreg:$0x2] =	wrdreg s3  }
0xa9: {  	[dreg:$0x3] =	wrdreg s5  }
0xaa: {  	[dreg:$0x4] =	wrdreg $0xC0  }
0xab: {  	_ =	task [dreg:s7], $0x5FFFF  }
0xac: {  	[dreg:$0x1] =	wrdreg $0xFFFFFFFF  }
0xad: {  	[dreg:$0x0] =	wrdreg $0x60  }
0xae: {  	[dreg:$0x2] =	wrdreg s2  }
0xaf: {  	[dreg:$0x3] =	wrdreg s24  }
0xb0: {  	[dreg:$0x4] =	wrdreg $0xA  }
0xb1: {  	_ =	task.clear_ibuf [dreg:s7], $0x5FFFF;
	_ =	strace $0x90000046  }
0xb2: {  	s29 =	simm.s32 $0xA;
	_ =	strace $0x8000004F  }
0xb3: {  	_ =	swait.ge [sflag:s29], $0x1  }
0xb4: {  	[sflag:s29] =	ssyncadd.s32 $0xFFFFFFFF  }
0xb5: {  	_ =	strace $0x9000004F  }
0xb6: {  	_ =	sfence  }
0xb7: {  	s30 =	sld [smem:$0x0];
	_ =	sdelay $0x2  }
0xb8: {  	s31 =	sshll.u32 s1, $0xD;
	s1 =	sshrl.u32 s1, $0x2  }
0xb9: {  	s3 =	sand.u32 $0x4000, s31;
	s1 =	sadd.s32 s1, s30  }
0xba: {  	s0 =	sor.u32 s3, s0;
	s1 =	sshll.u32 s1, $0x11  }
0xbb: {  	s0 =	sor.u32 s1, s0  }
0xbc: {  	s0 =	sadd.s32 $0x8F2B, s0  }
0xbd: {  	[sflag:s0] =	ssyncadd.remote.s32 $0x1  }
0xbe: {  	_ =	sfence.sel $0xFFFF  }
0xbf: {  	[dreg:$0x0] =	wrdreg $0xFFFFFFFF;
	(pc) =	sbr.abs _section_cstart, $3  }
0xc0: {  	[dreg:$0x1] =	wrdreg $0xFFFFFFFF  }
0xc1: {  	_ =	task.clear_ibuf [dreg:s7], $0x2FFFF;
	_ =	strace $0x9FFFFFFF  }
0xc2: {  	(tm) =	ssettm $0x7FFFFFFF  }
0xc3: {  	_ =	shalt  }
tec
execute0_lowered:
.L_overlay_start_1:
0x0: {  	(tag) =	ssettag $0x1  }
0x1: {  	s1 =	rddreg [dreg:$0x0]  }
0x2: {  	s5 =	rddreg [dreg:$0x1];
	s2 =	simm.s32 $0x0  }
0x3: {  	s6 =	srdreg.scid;
	s3 =	stileid.u32;
	s11 =	simm.s32 $0x0  }
0x4: {  	[smem:$0x7FF] =	sst s2;
	s4 =	sadd.s32 $0x7800, s5;
	s6 =	sand.u32 $0x1, s6  }
0x5: {  	s8 =	sshll.u32 s3, $0x4;
	s9 =	sadd.s32 $0x9800, s5;
	_ =	strace $0x80000047  }
0x6: {  	s7 =	ssub.s32 $0x2, s6;
	s6 =	sshll.u32 s6, $0x8;
	[dreg:$0x3] =	wrdreg s9  }
0x7: {  	s9 =	simm.s32 $0x1A;
	s10 =	sshrl.u32 s7, $0x1;
	s5 =	sor.u32 s8, s6  }
0x8: {  	s8 =	simm.s32 $0x1;
	s7 =	ssub.s32 s7, s10;
	s6 =	sshll.u32 s5, $0x4  }
0x9: {  	s10 =	simm.s32 $0x5;
	s6 =	sadd.s32 s4, s6;
	s7 =	smax.u32 s7, $0x1  }
.LBB2_1:
0xa: {  	_ =	strace $0x80000048;
	s12 =	simm.s32 $0x1;
	p0 =	por $0x0, $0x0  }
0xb: {  	[tilespmem:s2], [sflag:$0x2] =	stream.linear.gather [hbm4b:s6+s2], $0x80, $0x200038;
	[tilespmem:$0x8100] =	vst v63  }
0xc: {  	s12 =	simm.s32 @p0 $0x0  }
0xd: {  	p1 =	por $0x1, $0x1;
	p0 =	sne.s32 s12, $0x0  }
0xe: {  	p1 =	por !p1, !p0  }
0xf: {  	p1 =	por !p1, !p1  }
0x10: {  	s13 =	sadd.s32 @p1 s5, s12  }
0x11: {  	s14 =	sshll.u32 @p1 s12, $0x7;
	s13 =	sshll.u32 @p1 s13, $0x7  }
0x12: {  	s14 =	sand.u32 @p1 $0x380, s14;
	s13 =	sand.u32 @p1 $0xFFFFFC00, s13  }
0x13: {  	_ =	strace $0x90000048;
	s15 =	simm.s32 @p1 $0x0;
	s13 =	sor.u32 @p1 s14, s13  }
0x14: {  	_ =	strace @p1 $0x80000049;
	s14 =	sand.u32 @p1 $0x1, s8;
	s13 =	sshrl.u32 @p1 s13, $0x3  }
0x15: {  	s16 =	sshll.u32 @p1 s14, $0x7;
	s14 =	sor.u32 @p1 $0x2, s14;
	s13 =	sadd.s32 @p1 s4, s13  }
0x16: {  	[tilespmem:s16], [sflag:s14] =	stream.linear.gather @p1 [hbm4b:s13+s15], $0x80, $0x200038;
	[tilespmem:$0x8100] =	vst v63  }
0x17: {  	s17 =	sand.u32 $0x1, s2;
	_ =	strace @p1 $0x90000049  }
0x18: {  	s22 =	sor.u32 $0x2, s17;
	_ =	strace $0x8000004A  }
0x19: {  	s23 =	simm.s32 $0x0;
	p3 =	por $0x1, $0x1;
	_ =	swait.ge [sflag:s22], $0x80  }
0x1a: {  	p2 =	por $0x0, $0x0;
	p4 =	por $0x0, $0x0;
	[sflag:s22] =	ssyncset.done $0x0  }
0x1b: {  	p6 =	por $0x1, $0x1;
	s28 =	simm.s32 $0x1;
	[sflag:s22] =	ssyncadd.s32 $0xFFFFFF80  }
0x1c: {  	s21 =	simm.s32 $0x0;
	s24 =	sshll.u32 s17, $0xE;
	_ =	strace $0x9000004A  }
0x1d: {  	s20 =	sor.u32 $0x100, s24;
	s13 =	sand.u32 $0x80, s23;
	_ =	strace $0x8000004B  }
0x1e: {  	[tilespmem:s20], [sflag:$0x1] =	stream.indirect.gather [hbm4b:s1+s9], $0x80, s13, s9, $0x2000b8;
	[tilespmem:$0x8100] =	vst v63  }
0x1f: {  	s25 =	sor.u32 $0x1100, s24;
	s30 =	sor.u32 $0x2100, s24;
	s26 =	sor.u32 $0x1A, s13  }
0x20: {  	[tilespmem:s25], [sflag:$0x1] =	stream.indirect.gather [hbm4b:s1+s9], $0x80, s26, s9, $0x2000b8;
	[tilespmem:$0x8100] =	vst v63  }
0x21: {  	s19 =	sadd.s32 $0x1, s12;
	p5 =	por p0, p0;
	s31 =	sor.u32 $0x34, s13  }
0x22: {  	[tilespmem:s30], [sflag:$0x1] =	stream.indirect.gather [hbm4b:s1+s9], $0x80, s31, s9, $0x2000b8;
	[tilespmem:$0x8100] =	vst v63  }
0x23: {  	p0 =	por p3, p3;
	s14 =	sor.u32 $0x3100, s24;
	s13 =	sor.u32 $0x4E, s13  }
0x24: {  	[tilespmem:s14], [sflag:$0x1] =	stream.indirect.gather [hbm4b:s1+s9], $0x80, s13, s9, $0x2000b8;
	[tilespmem:$0x8100] =	vst v63  }
0x25: {  	s15 =	simm.s32 $0xE;
	s14 =	simm.s32 $0x1;
	_ =	swait.ge [sflag:s8], $0xD00  }
0x26: {  	s22 =	simm.s32 $0x1;
	s14 =	simm.s32 @!p1 $0x0;
	[sflag:s8] =	ssyncset.done $0x0  }
0x27: {  	s22 =	simm.s32 @!p4 $0x0;
	s16 =	sadd.s32 $0x1, s14;
	[sflag:s8] =	ssyncadd.s32 $0xFFFFF300  }
0x28: {  	s14 =	sand.u32 @!p3 $0x1, s2;
	p3 =	seq.s32 s19, $0x10;
	_ =	swait.ge [sflag:s8], $0xD00  }
0x29: {  	s25 =	sadd.s32 $0x0, s5;
	s19 =	simm.s32 @p3 $0x0;
	[sflag:s8] =	ssyncset.done $0x0  }
0x2a: {  	s13 =	simm.s32 $0xF;
	p3 =	sne.s32 s12, s19;
	[sflag:s8] =	ssyncadd.s32 $0xFFFFF300  }
0x2b: {  	p1 =	por $0x0, $0x0;
	p6 =	por !p6, !p3;
	_ =	swait.ge [sflag:s8], $0xD00  }
0x2c: {  	s23 =	sor.u32 @!p0 $0x4, s14;
	p4 =	por !p6, !p6;
	[sflag:s8] =	ssyncset.done $0x0  }
0x2d: {  	p6 =	por p1, p5;
	s14 =	sadd.s32 @p4 s5, s19;
	[sflag:s8] =	ssyncadd.s32 $0xFFFFF300  }
0x2e: {  	s18 =	sshll.u32 @p4 s19, $0x7;
	s28 =	simm.s32 @!p6 $0x0;
	_ =	swait.ge [sflag:s8], $0xD00  }
0x2f: {  	s26 =	sand.u32 @p4 $0x1, s16;
	s14 =	sshll.u32 @p4 s14, $0x7;
	[sflag:s8] =	ssyncset.done $0x0  }
0x30: {  	s24 =	sand.u32 @p4 $0x380, s18;
	s18 =	simm.s32 $0x0;
	[sflag:s8] =	ssyncadd.s32 $0xFFFFF300  }
0x31: {  	s29 =	sand.u32 @p4 $0xFFFFFC00, s14;
	s14 =	simm.s32 $0x0;
	_ =	strace $0x9000004B  }
.LBB2_2:
0x32: {  	s29 =	sor.u32 @p4 s24, s29;
	_ =	strace @p6 $0x8000004C  }
0x33: {  	s30 =	sshll.u32 @p6 s25, $0xB;
	s25 =	smov.u32 s12;
	p1 =	por p3, p3  }
0x34: {  	s17 =	sor.u32 @p6 $0x4, s17;
	s0 =	simm.s32 @!p1 $0x0;
	s12 =	sshrl.u32 @p4 s29, $0x3  }
0x35: {  	s29 =	sand.u32 @p6 $0x1FFFF800, s30;
	s30 =	rddreg [dreg:$0x3];
	s0 =	simm.s32 @p1 $0x1  }
0x36: {  	s29 =	sadd.s32 @p6 s30, s29;
	s30 =	simm.s32 @p6 $0x0;
	[smem:$0x7FD] =	sst s0  }
0x37: {  	[hbm4b:s29+s30] =	stream.linear.scatter @p6 [tilespmem:s20], [sflag:s17], $0x4000, $0x200038;
	[tilespmem:$0x8100] =	vst v63  }
0x38: {  	_ =	strace @p6 $0x9000004C  }
0x39: {  	_ =	strace @!p0 $0x8000004D  }
0x3a: {  	_ =	swait.ge @!p0 [sflag:s23], $0x4000  }
0x3b: {  	[sflag:s23] =	ssyncset.done @!p0 $0x0  }
0x3c: {  	s21 =	sadd.s32 s28, s21;
	[sflag:s23] =	ssyncadd.s32 @!p0 $0xFFFFC000  }
0x3d: {  	s31 =	sadd.s32 @p4 s4, s12;
	s17 =	simm.s32 @p4 $0x0;
	_ =	strace @!p0 $0x9000004D  }
0x3e: {  	s20 =	sshll.u32 @p4 s26, $0x7;
	s26 =	sor.u32 @p4 $0x2, s26;
	_ =	strace @p4 $0x80000049  }
0x3f: {  	[tilespmem:s20], [sflag:s26] =	stream.linear.gather @p4 [hbm4b:s31+s17], $0x80, $0x200038;
	[tilespmem:$0x8100] =	vst v63  }
0x40: {  	s18 =	sadd.s32 s28, s18;
	s28 =	sand.u32 $0x1, s21;
	_ =	strace @p4 $0x90000049  }
0x41: {  	s30 =	sor.u32 $0x2, s28;
	_ =	strace $0x8000004A  }
0x42: {  	_ =	swait.ge [sflag:s30], $0x80  }
0x43: {  	[sflag:s30] =	ssyncset.done $0x0  }
0x44: {  	s17 =	sand.u32 $0x1, s18;
	[sflag:s30] =	ssyncadd.s32 $0xFFFFFF80  }
0x45: {  	s0 =	sshll.u32 s21, $0x7;
	s23 =	sshll.u32 s17, $0xE;
	_ =	strace $0x9000004A  }
0x46: {  	s0 =	sand.u32 $0x80, s0;
	s20 =	sor.u32 $0x100, s23;
	_ =	strace $0x8000004B  }
0x47: {  	[tilespmem:s20], [sflag:$0x1] =	stream.indirect.gather [hbm4b:s1+s9], $0x80, s0, s9, $0x2000b8;
	[tilespmem:$0x8100] =	vst v63  }
0x48: {  	s28 =	sor.u32 $0x1A, s0;
	s31 =	sor.u32 $0x1100, s23  }
0x49: {  	[tilespmem:s31], [sflag:$0x1] =	stream.indirect.gather [hbm4b:s1+s9], $0x80, s28, s9, $0x2000b8;
	[tilespmem:$0x8100] =	vst v63  }
0x4a: {  	s24 =	smov.u32 s13;
	s30 =	sor.u32 $0x2100, s23;
	s28 =	sor.u32 $0x34, s0  }
0x4b: {  	[tilespmem:s30], [sflag:$0x1] =	stream.indirect.gather [hbm4b:s1+s9], $0x80, s28, s9, $0x2000b8;
	[tilespmem:$0x8100] =	vst v63  }
0x4c: {  	s13 =	smov.u32 s15;
	s23 =	sor.u32 $0x3100, s23;
	s0 =	sor.u32 $0x4E, s0  }
0x4d: {  	[tilespmem:s23], [sflag:$0x1] =	stream.indirect.gather [hbm4b:s1+s9], $0x80, s0, s9, $0x2000b8;
	[tilespmem:$0x8100] =	vst v63  }
0x4e: {  	s15 =	sadd.s32 $0xFFFFFFFF, s15;
	s12 =	simm.s32 $0x1;
	_ =	swait.ge [sflag:s8], $0xD00  }
0x4f: {  	s14 =	sadd.s32 s22, s14;
	s12 =	simm.s32 @!p4 $0x0;
	[sflag:s8] =	ssyncset.done $0x0  }
0x50: {  	p5 =	sne.s32 s15, $0x0;
	s16 =	sadd.s32 s12, s16;
	[sflag:s8] =	ssyncadd.s32 $0xFFFFF300  }
0x51: {  	s12 =	smov.u32 s19;
	s19 =	sadd.s32 $0x1, s19;
	_ =	swait.ge [sflag:s8], $0xD00  }
0x52: {  	s22 =	sand.u32 @!p2 $0x1, s14;
	p3 =	seq.s32 s19, $0x10;
	[sflag:s8] =	ssyncset.done $0x0  }
0x53: {  	s25 =	sadd.s32 s5, s25;
	s19 =	simm.s32 @p3 $0x0;
	[sflag:s8] =	ssyncadd.s32 $0xFFFFF300  }
0x54: {  	p1 =	sne.s32 s13, $0x1;
	p3 =	sne.s32 s12, s19;
	_ =	swait.ge [sflag:s8], $0xD00  }
0x55: {  	p6 =	seq.s32 s24, $0x1;
	p1 =	por !p1, !p3;
	[sflag:s8] =	ssyncset.done $0x0  }
0x56: {  	p0 =	por p2, p2;
	p2 =	seq.s32 s13, $0x10;
	[sflag:s8] =	ssyncadd.s32 $0xFFFFF300  }
0x57: {  	p4 =	sne.s32 s24, $0x10;
	s28 =	simm.s32 $0x1;
	_ =	swait.ge [sflag:s8], $0xD00  }
0x58: {  	s23 =	sor.u32 @!p0 $0x4, s22;
	s22 =	simm.s32 $0x1;
	s31 =	sld [smem:$0x7FD]  }
.Ltmp0:
0x59: {  	s22 =	simm.s32 @!p4 $0x0;
	p4 =	por !p1, !p1;
	(pc) =	sbr.rel @p5 .LBB2_2-.Ltmp0, $4  }
0x5a: {  	s0 =	sadd.s32 @p4 s5, s19;
	s24 =	sshll.u32 @p4 s19, $0x7;
	s26 =	sand.u32 @p4 $0x1, s16  }
0x5b: {  	s0 =	sshll.u32 @p4 s0, $0x7;
	[sflag:s8] =	ssyncset.done $0x0;
	p1 =	seq.s32 s31, $0x1  }
0x5c: {  	s24 =	sand.u32 @p4 $0x380, s24;
	[sflag:s8] =	ssyncadd.s32 $0xFFFFF300;
	p6 =	por p6, p1  }
0x5d: {  	s29 =	sand.u32 @p4 $0xFFFFFC00, s0;
	_ =	strace $0x9000004B;
	s28 =	simm.s32 @!p6 $0x0  }
0x5e: {  	_ =	strace @p6 $0x8000004C;
	s15 =	sshll.u32 @p6 s25, $0xB  }
0x5f: {  	s0 =	rddreg [dreg:$0x3];
	s15 =	sand.u32 @p6 $0x1FFFF800, s15  }
0x60: {  	s16 =	sor.u32 @p6 $0x4, s17;
	s0 =	sadd.s32 @p6 s0, s15;
	s15 =	simm.s32 @p6 $0x0  }
0x61: {  	[hbm4b:s0+s15] =	stream.linear.scatter @p6 [tilespmem:s20], [sflag:s16], $0x4000, $0x200038;
	[tilespmem:$0x8100] =	vst v63  }
0x62: {  	_ =	strace @p6 $0x9000004C  }
0x63: {  	_ =	strace @!p0 $0x8000004D  }
0x64: {  	_ =	swait.ge @!p0 [sflag:s23], $0x4000  }
0x65: {  	s17 =	sshll.u32 @p4 s26, $0x7;
	[sflag:s23] =	ssyncset.done @!p0 $0x0  }
0x66: {  	s19 =	sor.u32 @p4 $0x2, s26;
	s0 =	sor.u32 @p4 s24, s29;
	[sflag:s23] =	ssyncadd.s32 @!p0 $0xFFFFC000  }
0x67: {  	s24 =	sadd.s32 s28, s21;
	s0 =	sshrl.u32 @p4 s0, $0x3;
	_ =	strace @!p0 $0x9000004D  }
0x68: {  	s16 =	simm.s32 @p4 $0x0;
	s0 =	sadd.s32 @p4 s4, s0;
	_ =	strace @p4 $0x80000049  }
0x69: {  	[tilespmem:s17], [sflag:s19] =	stream.linear.gather @p4 [hbm4b:s0+s16], $0x80, $0x200038;
	[tilespmem:$0x8100] =	vst v63  }
0x6a: {  	s25 =	sand.u32 $0x1, s24;
	_ =	strace @p4 $0x90000049  }
0x6b: {  	s0 =	sor.u32 $0x2, s25;
	_ =	strace $0x8000004A  }
0x6c: {  	_ =	swait.ge [sflag:s0], $0x80  }
0x6d: {  	s26 =	sadd.s32 s28, s18;
	[sflag:s0] =	ssyncset.done $0x0  }
0x6e: {  	[sflag:s0] =	ssyncadd.s32 $0xFFFFFF80;
	s0 =	sand.u32 $0x1, s26  }
0x6f: {  	s15 =	sshll.u32 s24, $0x7;
	_ =	strace $0x9000004A;
	s16 =	sshll.u32 s0, $0xE  }
0x70: {  	s15 =	sand.u32 $0x80, s15;
	_ =	strace $0x8000004B;
	s17 =	sor.u32 $0x100, s16  }
0x71: {  	[tilespmem:s17], [sflag:$0x1] =	stream.indirect.gather [hbm4b:s1+s9], $0x80, s15, s9, $0x2000b8;
	[tilespmem:$0x8100] =	vst v63  }
0x72: {  	s29 =	sor.u32 $0x1A, s15;
	s28 =	sor.u32 $0x1100, s16  }
0x73: {  	[tilespmem:s28], [sflag:$0x1] =	stream.indirect.gather [hbm4b:s1+s9], $0x80, s29, s9, $0x2000b8;
	[tilespmem:$0x8100] =	vst v63  }
0x74: {  	s31 =	sor.u32 $0x34, s15;
	s30 =	sor.u32 $0x2100, s16  }
0x75: {  	[tilespmem:s30], [sflag:$0x1] =	stream.indirect.gather [hbm4b:s1+s9], $0x80, s31, s9, $0x2000b8;
	[tilespmem:$0x8100] =	vst v63  }
0x76: {  	s16 =	sor.u32 $0x3100, s16;
	s15 =	sor.u32 $0x4E, s15  }
0x77: {  	[tilespmem:s16], [sflag:$0x1] =	stream.indirect.gather [hbm4b:s1+s9], $0x80, s15, s9, $0x2000b8;
	[tilespmem:$0x8100] =	vst v63  }
0x78: {  	_ =	swait.ge [sflag:s8], $0xD00  }
0x79: {  	[sflag:s8] =	ssyncset.done $0x0  }
0x7a: {  	[sflag:s8] =	ssyncadd.s32 $0xFFFFF300  }
0x7b: {  	_ =	swait.ge [sflag:s8], $0xD00  }
0x7c: {  	[sflag:s8] =	ssyncset.done $0x0  }
0x7d: {  	[sflag:s8] =	ssyncadd.s32 $0xFFFFF300  }
0x7e: {  	_ =	swait.ge [sflag:s8], $0xD00  }
0x7f: {  	[sflag:s8] =	ssyncset.done $0x0  }
0x80: {  	[sflag:s8] =	ssyncadd.s32 $0xFFFFF300  }
0x81: {  	_ =	swait.ge [sflag:s8], $0xD00  }
0x82: {  	[sflag:s8] =	ssyncset.done $0x0  }
0x83: {  	p1 =	seq.s32 s13, $0x1;
	p6 =	por p3, p3;
	[sflag:s8] =	ssyncadd.s32 $0xFFFFF300  }
0x84: {  	s12 =	sadd.s32 s5, s12;
	p0 =	por p1, p6;
	_ =	strace $0x9000004B  }
0x85: {  	s12 =	sshll.u32 @p0 s12, $0xB;
	_ =	strace @p0 $0x8000004C  }
0x86: {  	s14 =	sadd.s32 s22, s14;
	s12 =	sand.u32 @p0 $0x1FFFF800, s12;
	s13 =	rddreg [dreg:$0x3]  }
0x87: {  	s0 =	sor.u32 @p0 $0x4, s0;
	s12 =	sadd.s32 @p0 s13, s12;
	s13 =	simm.s32 @p0 $0x0  }
0x88: {  	[hbm4b:s12+s13] =	stream.linear.scatter @p0 [tilespmem:s17], [sflag:s0], $0x4000, $0x200038;
	[tilespmem:$0x8100] =	vst v63  }
0x89: {  	p1 =	por p2, p2;
	s0 =	sand.u32 @!p2 $0x1, s14;
	_ =	strace @p0 $0x9000004C  }
0x8a: {  	s0 =	sor.u32 @!p1 $0x4, s0;
	_ =	strace @!p1 $0x8000004D  }
0x8b: {  	_ =	swait.ge @!p1 [sflag:s0], $0x4000  }
0x8c: {  	[sflag:s0] =	ssyncset.done @!p1 $0x0  }
0x8d: {  	s11 =	sadd.s32 $0x1, s11;
	[sflag:s0] =	ssyncadd.s32 @!p1 $0xFFFFC000  }
0x8e: {  	p0 =	sne.s32 s11, s7;
	_ =	strace @!p1 $0x9000004D  }
.Ltmp1:
0x8f: {  	_ =	strace $0x8000004E;
	(pc) =	sbr.rel @p0 .LBB2_1-.Ltmp1, $4  }
0x90: {  	_ =	swait.ge [sflag:s10], $0x4000  }
0x91: {  	[sflag:s10] =	ssyncset.done $0x0  }
0x92: {  	[sflag:s10] =	ssyncadd.s32 $0xFFFFC000  }
0x93: {  	_ =	strace $0x9000004E  }
0x94: {  	_ =	sfence.sel $0x180000  }
0x95: {  	[bflag:$0x0] =	sbarrier.arrive $0xFFFF  }
0x96: {  	_ =	strace $0x90000047  }
0x97: {  	[bflag:$0x2] =	sbarrier.arrive $0xFFFF  }
0x98: {  	p0 =	sne.s32 s3, $0x0;
	s0 =	rddreg [dreg:$0x2]  }
0x99: {  	s0 =	sadd.s32 @!p0 $0x100000, s0  }
0x9a: {  	[sflag:s0] =	ssyncadd.tile.s32 @!p0 $0x1;
	_ =	shalt  }
.Lfunc_end2:
_tile_overlayer_lowered:
.L_overlay_start_2:
0x9b: {  	(tag) =	ssettag $0x2  }
0x9c: {  	s0 =	rddreg [dreg:$0x0];
	s2 =	stileid.u32  }
0x9d: {  	s1 =	rddreg [dreg:$0x1];
	p0 =	sne.s32 s2, $0x0  }
0x9e: {  	s3 =	rddreg [dreg:$0x2];
	[bflag:$0x3] =	sbarrier.arrive $0xFFFF;
	s2 =	simm.s32 @!p0 $0x1C02  }
0x9f: {  	[timem:s3], [sflag:s2] =	dma.local @!p0 [hbm:s0], s1  }
0xa0: {  	s0 =	simm.s32 @!p0 $0x2  }
0xa1: {  	_ =	swait.ge @!p0 [sflag:s0], s1  }
0xa2: {  	s1 =	ssub.s32 @!p0 $0x0, s1;
	[sflag:s0] =	ssyncset.done @!p0 $0x0  }
0xa3: {  	[sflag:s0] =	ssyncadd.s32 @!p0 s1  }
0xa4: {  	[bflag:$0x3] =	sbarrier.arrive $0xFFFF  }
0xa5: {  	_ =	shalt  }

</sc_bundles>
